<compile_context>
chip_gen: v7x
topology: tpu7x:2x2x1
jax: 0.10.2.dev20260603
libtpu: 0.0.44.dev20260713+nightly
codegen_flags: <defaults>
</compile_context>

<pallas_src>
import functools

import jax
import jax.numpy as jnp
from jax import lax
from jax.experimental import pallas as pl
from jax.experimental.pallas import tpu as pltpu
from jax.experimental.pallas import tpu_sc as plsc

_WORD_MIN = 0.4
_WORD_IOU = 0.5
_CHAR_MIN = 0.35
_CHAR_IOU = 0.3
_STRIDE = 4.0
_KW = 1024
_KC = 2048
_H = 128
_W = 128
_HW = _H * _W
_NCLS = 68
_B = 256


def _mask_kernel(fgw_ref, fgc_ref, mw_ref, mc_ref):
    fgw = fgw_ref[...]
    fgc = fgc_ref[...]
    mw_ref[...] = jnp.where(fgw > _WORD_MIN, fgw, -1.0)
    mc_ref[...] = jnp.where((fgc > _CHAR_MIN) & (fgw > _WORD_MIN), fgc, -1.0)


def _masked_scores(fgw, fgc):
    return pl.pallas_call(
        _mask_kernel,
        out_shape=[
            jax.ShapeDtypeStruct((_H, _W), jnp.float32),
            jax.ShapeDtypeStruct((_H, _W), jnp.float32),
        ],
    )(fgw, fgc)


_SC_NC = 2
_SC_NS = 16


def _sc_gather(table, idx, d):
    b = idx.shape[0]
    nw = _SC_NC * _SC_NS
    b_per_w = b // nw
    mesh = plsc.VectorSubcoreMesh(core_axis_name="c", subcore_axis_name="s")

    @functools.partial(
        pl.kernel, mesh=mesh,
        out_type=jax.ShapeDtypeStruct((b, d), jnp.float32),
        scratch_types=[
            pltpu.VMEM((b_per_w,), jnp.int32),
            pltpu.VMEM((b_per_w, d), jnp.float32),
            pltpu.SemaphoreType.DMA,
        ],
    )
    def gat(table_hbm, idx_hbm, out_hbm, idx_v, rows_v, sem):
        wid = lax.axis_index("s") * _SC_NC + lax.axis_index("c")
        base = wid * b_per_w
        pltpu.sync_copy(idx_hbm.at[pl.ds(base, b_per_w)], idx_v)
        pltpu.async_copy(table_hbm.at[idx_v], rows_v, sem).wait()
        pltpu.sync_copy(rows_v, out_hbm.at[pl.ds(base, b_per_w)])

    return gat(table, idx)


def _nms_kernel(gat_ref, idx_ref, sc_ref, par_ref, out_ref, cls_ref,
                over_ref, *, k, nrows, min_score, thresh, has_cls):
    f32 = jnp.float32
    idx = idx_ref[...]
    scores = sc_ref[...]

    acc = gat_ref[...]

    t = acc[0:1, :]
    b = acc[1:2, :]
    l = acc[2:3, :]
    r_ = acc[3:4, :]
    if has_cls:
        co = jnp.ones((1, k), f32)
        si = jnp.zeros((1, k), f32)
    else:
        co = acc[4:5, :]
        si = acc[5:6, :]

    sw = par_ref[0:1, 0:1]
    sh = par_ref[0:1, 1:2]
    imw = par_ref[0:1, 2:3]
    imh = par_ref[0:1, 3:4]

    xs = (idx & (_W - 1)).astype(f32)
    ys = (idx >> 7).astype(f32)

    x1 = sw * _STRIDE * (xs - l)
    y1 = sh * _STRIDE * (ys - t)
    x2 = sw * _STRIDE * (xs + r_)
    y2 = sh * _STRIDE * (ys + b)
    ax = sw * _STRIDE * xs
    ay = sh * _STRIDE * ys

    def rot(px, py):
        return ((px - ax) * co - (py - ay) * si + ax,
                (px - ax) * si + (py - ay) * co + ay)

    p1x, p1y = rot(x1, y1)
    p2x, p2y = rot(x2, y1)
    p3x, p3y = rot(x2, y2)
    p4x, p4y = rot(x1, y2)

    xmn = jnp.minimum(jnp.minimum(p1x, p2x), jnp.minimum(p3x, p4x))
    xmx = jnp.maximum(jnp.maximum(p1x, p2x), jnp.maximum(p3x, p4x))
    ymn = jnp.minimum(jnp.minimum(p1y, p2y), jnp.minimum(p3y, p4y))
    ymx = jnp.maximum(jnp.maximum(p1y, p2y), jnp.maximum(p3y, p4y))
    area = jnp.clip(xmx - xmn, 0.0) * jnp.clip(ymx - ymn, 0.0)

    ident = (lax.broadcasted_iota(jnp.int32, (_B, _B), 0) ==
             lax.broadcasted_iota(jnp.int32, (_B, _B), 1)).astype(f32)

    def col(row, rb):
        blk = row[:, rb * _B:(rb + 1) * _B]
        return lax.dot_general(ident, blk, (((1,), (1,)), ((), ())),
                               precision=lax.Precision.HIGHEST,
                               preferred_element_type=f32)

    for rb in range(k // _B):
        x1c = col(xmn, rb)
        y1c = col(ymn, rb)
        x2c = col(xmx, rb)
        y2c = col(ymx, rb)
        ac = col(area, rb)
        ix1 = jnp.maximum(x1c, xmn)
        iy1 = jnp.maximum(y1c, ymn)
        ix2 = jnp.minimum(x2c, xmx)
        iy2 = jnp.minimum(y2c, ymx)
        inter = jnp.clip(ix2 - ix1, 0.0) * jnp.clip(iy2 - iy1, 0.0)
        denom = ac + area - inter + 1e-9
        over_ref[rb * _B:(rb + 1) * _B, :] = (inter > thresh * denom).astype(f32)

    validf = (scores > min_score)
    lane_b = lax.broadcasted_iota(jnp.int32, (1, _B), 1)
    done = []
    for bi in range(k // _B):
        base = bi * _B
        validb = validf[:, base:base + _B]
        if bi > 0:
            keep_prior = jnp.concatenate(done, axis=1)
            over_prior = over_ref[base:base + _B, 0:base]
            ext = lax.dot_general(over_prior, keep_prior,
                                  (((1,), (1,)), ((), ())),
                                  preferred_element_type=f32)
            ext_row = lax.dot_general(ext, ident,
                                      (((0,), (0,)), ((), ())),
                                      preferred_element_type=f32)
            validb = validb & (ext_row <= 0.0)

        def body(rr, keepb, base=base, validb=validb):
            row = over_ref[pl.ds(base + rr, 1), base:base + _B]
            sup = jnp.sum(row * keepb)
            return jnp.where((lane_b == rr) & validb & (sup <= 0.0),
                             1.0, keepb)

        done.append(lax.fori_loop(0, _B, body, jnp.zeros((1, _B), f32)))
    keep = jnp.concatenate(done, axis=1)

    def cc(p, bound):
        return jnp.clip(jnp.round(p), 0.0, bound - 1.0)

    rows_out = jnp.concatenate(
        [cc(p1x, imw), cc(p1y, imh), cc(p2x, imw), cc(p2y, imh),
         cc(p3x, imw), cc(p3y, imh), cc(p4x, imw), cc(p4y, imh),
         scores, jnp.zeros((7, k), f32)], axis=0)
    out_ref[...] = rows_out * keep

    if has_cls:
        cls_rows = acc[4:4 + _NCLS, :] * keep
        cls_ref[...] = jnp.concatenate(
            [cls_rows, jnp.zeros((4, k), f32)], axis=0)


def _nms_call(gat, idx, scores, par, *, k, nrows, min_score, thresh,
              has_cls):
    body = functools.partial(_nms_kernel, k=k, nrows=nrows,
                             min_score=min_score, thresh=thresh,
                             has_cls=has_cls)
    out_shapes = [jax.ShapeDtypeStruct((16, k), jnp.float32)]
    if has_cls:
        out_shapes.append(jax.ShapeDtypeStruct((_NCLS + 4, k), jnp.float32))
    else:
        out_shapes.append(jax.ShapeDtypeStruct((8, k), jnp.float32))
    return pl.pallas_call(
        body,
        out_shape=out_shapes,
        scratch_shapes=[pltpu.VMEM((k, k), jnp.float32)],
    )(gat, idx, scores, par)


def kernel(pred_word_fg, pred_word_tblr, pred_word_orient, pred_char_fg,
           pred_char_tblr, pred_char_cls, im_scale_w, im_scale_h,
           original_im_w, original_im_h):
    f32 = jnp.float32
    sw = jnp.float32(im_scale_w)
    sh = jnp.float32(im_scale_h)
    imw = jnp.float32(original_im_w)
    imh = jnp.float32(original_im_h)
    par = jnp.concatenate([jnp.stack([sw, sh, imw, imh]),
                           jnp.zeros((124,), f32)]).reshape(1, 128)

    mw, mc = _masked_scores(pred_word_fg, pred_char_fg)
    ws, wi = lax.top_k(mw.reshape(-1), _KW)
    cs, ci = lax.top_k(mc.reshape(-1), _KC)

    co = jnp.cos(pred_word_orient).reshape(1, -1)
    si = jnp.sin(pred_word_orient).reshape(1, -1)
    table_w = jnp.concatenate(
        [pred_word_tblr.reshape(4, -1), co, si,
         jnp.zeros((122, _HW), f32)], 0).T
    table_c = jnp.concatenate(
        [pred_char_tblr.reshape(4, -1), pred_char_cls.reshape(_NCLS, -1),
         jnp.zeros((56, _HW), f32)], 0).T

    gat_w = _sc_gather(table_w, wi, 128).T
    gat_c = _sc_gather(table_c, ci, 128).T

    w16, _ = _nms_call(gat_w, wi.reshape(1, -1), ws.reshape(1, -1), par,
                       k=_KW, nrows=128, min_score=_WORD_MIN,
                       thresh=_WORD_IOU, has_cls=False)
    c16, cls72 = _nms_call(gat_c, ci.reshape(1, -1), cs.reshape(1, -1),
                           par, k=_KC, nrows=128,
                           min_score=_CHAR_MIN, thresh=_CHAR_IOU,
                           has_cls=True)

    word_boxes = w16[:9].T
    char_boxes = c16[:9].T
    char_scores = cls72[:_NCLS].T
    return (char_boxes, char_scores, word_boxes)

# --- scband reference (transcript-rebuilt; emitter-appended) ---
"""Pipeline reference for scband-oriented-text-post-processing-67585605370183 (READ-ONLY COPY).

The authoritative reference and input builder live on the scoring server;
editing this copy changes nothing except your own understanding.
"""

import jax, jax.numpy as jnp
import numpy as np
from jax import lax

WORD_MIN_SCORE = 0.4
WORD_STRIDE = 4.0
WORD_NMS_IOU = 0.5
CHAR_STRIDE = 4.0
CHAR_MIN_SCORE = 0.35
NUM_CHAR_CLASS = 68
CHAR_NMS_IOU = 0.3
K_WORD = 1024
K_CHAR = 2048
H = 128
W = 128


def _rotate_rect(x1, y1, x2, y2, o, ax, ay):
    co = jnp.cos(o); si = jnp.sin(o)
    def rot(px, py):
        return (px - ax) * co - (py - ay) * si + ax, (px - ax) * si + (py - ay) * co + ay
    p1x, p1y = rot(x1, y1)
    p2x, p2y = rot(x2, y1)
    p3x, p3y = rot(x2, y2)
    p4x, p4y = rot(x1, y2)
    return jnp.stack([p1x, p1y, p2x, p2y, p3x, p3y, p4x, p4y], axis=-1)


def _aabb(quads):
    xs = quads[:, 0:8:2]; ys = quads[:, 1:8:2]
    return jnp.stack([xs.min(1), ys.min(1), xs.max(1), ys.max(1)], axis=-1)


def _iou_matrix(b):
    x1 = jnp.maximum(b[:, None, 0], b[None, :, 0])
    y1 = jnp.maximum(b[:, None, 1], b[None, :, 1])
    x2 = jnp.minimum(b[:, None, 2], b[None, :, 2])
    y2 = jnp.minimum(b[:, None, 3], b[None, :, 3])
    inter = jnp.clip(x2 - x1, 0.0) * jnp.clip(y2 - y1, 0.0)
    area = jnp.clip(b[:, 2] - b[:, 0], 0.0) * jnp.clip(b[:, 3] - b[:, 1], 0.0)
    return inter / (area[:, None] + area[None, :] - inter + 1e-9)


def _greedy_nms(quads, scores, valid, thresh):
    K = scores.shape[0]
    iou = _iou_matrix(_aabb(quads))
    order = jnp.argsort(-scores)
    iou_o = iou[order][:, order]
    valid_o = valid[order]
    idxs = jnp.arange(K)
    def body(i, keep):
        sup = jnp.any(keep & (idxs < i) & (iou_o[i] > thresh))
        return keep.at[i].set(valid_o[i] & jnp.logical_not(sup))
    keep_o = lax.fori_loop(0, K, body, jnp.zeros((K,), dtype=bool))
    keep = jnp.zeros((K,), dtype=bool).at[order].set(keep_o)
    return lax.stop_gradient(keep)


def _parse_maps(fg_score, tblr, orient, min_score, stride, scale_w, scale_h, k, nms_thresh, im_w, im_h, extra_valid=None):
    h, w = fg_score.shape
    ys, xs = jnp.meshgrid(jnp.arange(h, dtype=jnp.float32), jnp.arange(w, dtype=jnp.float32), indexing='ij')
    t = tblr[0]; b = tblr[1]; l = tblr[2]; r = tblr[3]
    quads = _rotate_rect(scale_w * stride * (xs - l), scale_h * stride * (ys - t),
                         scale_w * stride * (xs + r), scale_h * stride * (ys + b),
                         orient, scale_w * stride * xs, scale_h * stride * ys)
    quads = quads.reshape(-1, 8)
    scores = fg_score.reshape(-1)
    mask = scores > min_score
    if extra_valid is not None:
        mask = mask & extra_valid.reshape(-1)
    masked = jnp.where(mask, scores, -1.0)
    top_scores, top_idx = lax.top_k(masked, k)
    quads_k = quads[top_idx]
    valid = top_scores > min_score
    keep = _greedy_nms(quads_k, top_scores, valid, nms_thresh)
    coords = jnp.round(quads_k)
    cx = jnp.clip(coords[:, 0:8:2], 0.0, im_w - 1.0)
    cy = jnp.clip(coords[:, 1:8:2], 0.0, im_h - 1.0)
    coords = jnp.stack([cx, cy], axis=-1).reshape(-1, 8)
    kf = keep.astype(coords.dtype)
    boxes9 = jnp.concatenate([coords, top_scores[:, None]], axis=1) * kf[:, None]
    return boxes9, top_idx, keep


def _forward(pred_word_fg, pred_word_tblr, pred_word_orient, pred_char_fg, pred_char_tblr, pred_char_cls, sw, sh, imw, imh):
    word_boxes, _, _ = _parse_maps(pred_word_fg, pred_word_tblr, pred_word_orient,
                                   WORD_MIN_SCORE, WORD_STRIDE, sw, sh, K_WORD, WORD_NMS_IOU, imw, imh)
    word_mask = pred_word_fg > WORD_MIN_SCORE
    zero_orient = jnp.zeros_like(pred_char_fg)
    char_boxes, char_idx, char_keep = _parse_maps(pred_char_fg, pred_char_tblr, zero_orient,
                                                  CHAR_MIN_SCORE, CHAR_STRIDE, sw, sh, K_CHAR, CHAR_NMS_IOU, imw, imh,
                                                  extra_valid=word_mask)
    cls_flat = pred_char_cls.reshape(pred_char_cls.shape[0], -1).T
    char_scores = cls_flat[char_idx] * char_keep.astype(cls_flat.dtype)[:, None]
    return (char_boxes, char_scores, word_boxes)


def setup_inputs(seed: int = 0):
    key = jax.random.key(seed)
    ks = jax.random.split(key, 6)
    pred_word_fg = jax.random.uniform(ks[0], (H, W), dtype=jnp.float32)
    pred_word_tblr = jax.random.uniform(ks[1], (4, H, W), dtype=jnp.float32) * 8.0
    pred_word_orient = jax.random.normal(ks[2], (H, W), dtype=jnp.float32) * 0.3
    pred_char_fg = jax.random.uniform(ks[3], (H, W), dtype=jnp.float32)
    pred_char_tblr = jax.random.uniform(ks[4], (4, H, W), dtype=jnp.float32) * 4.0
    pred_char_cls = jax.random.uniform(ks[5], (NUM_CHAR_CLASS, H, W), dtype=jnp.float32)
    return {'pred_word_fg': pred_word_fg, 'pred_word_tblr': pred_word_tblr,
            'pred_word_orient': pred_word_orient, 'pred_char_fg': pred_char_fg,
            'pred_char_tblr': pred_char_tblr, 'pred_char_cls': pred_char_cls,
            'im_scale_w': 1, 'im_scale_h': 1, 'original_im_w': 512, 'original_im_h': 512}


def reference(pred_word_fg, pred_word_tblr, pred_word_orient, pred_char_fg, pred_char_tblr, pred_char_cls, im_scale_w, im_scale_h, original_im_w, original_im_h):
    sw = jnp.float32(im_scale_w)
    sh = jnp.float32(im_scale_h)
    imw = jnp.float32(original_im_w)
    imh = jnp.float32(original_im_h)
    return _forward(pred_word_fg, pred_word_tblr, pred_word_orient,
                    pred_char_fg, pred_char_tblr, pred_char_cls, sw, sh, imw, imh)

if __name__ == "__main__":
    import jax
    _d = setup_inputs()
    print(jax.jit(kernel)(*tuple(_d.values())))

</pallas_src>

<mosaic_0001>
#map = affine_map<(d0, d1) -> (0, 0)>
#map1 = affine_map<(d0, d1) -> (0)>
module attributes {stable_mosaic.version = 14 : i64} {
  func.func @gat(%arg0: i32, %arg1: i32, %arg2: memref<16384x128xf32, #tpu.memory_space<hbm>>, %arg3: memref<1024xi32, #tpu.memory_space<hbm>>, %arg4: memref<1024x128xf32, #tpu.memory_space<hbm>>, %arg5: memref<32xi32, #tpu.memory_space<vmem>>, %arg6: memref<32x128xf32, #tpu.memory_space<vmem>>, %arg7: memref<!tpu.dma_semaphore, #tpu.memory_space<semaphore_mem>>) attributes {dimension_semantics = [#tpu.dimension_semantics<core_parallel>, #tpu.dimension_semantics<subcore_parallel>], iteration_bounds = array<i64: 2, 16>, scalar_prefetch = 0 : i64, scratch_operands = 3 : i64, tpu.core_type = #tpu.core_type<sc_vector_subcore>, window_params = [{transform_indices = #map}, {transform_indices = #map1}, {transform_indices = #map}]} {
    %mul3A = arith.constant 2 : i32
    %mul3A_0 = arith.muli %arg1, %mul3A : i32
    %add3A = arith.addi %mul3A_0, %arg0 : i32
    %mul3A_1 = arith.constant 32 : i32
    %mul3A_2 = arith.muli %add3A, %mul3A_1 : i32
    "tpu.region"() ({
      %run_scoped3A = tpu.sem_alloc : memref<!tpu.dma_semaphore, #tpu.memory_space<semaphore_mem>>
      %dma_start3A_7 = tpu.memref_slice %arg3[%mul3A_2] : memref<1024xi32, #tpu.memory_space<hbm>> -> memref<32xi32, #tpu.memory_space<hbm>>
      %dma_start3A_8 = tpu.memref_slice %arg3[%mul3A_2] : memref<1024xi32, #tpu.memory_space<hbm>> -> memref<32xi32, #tpu.memory_space<hbm>>
      tpu.enqueue_dma source(%dma_start3A_8 : memref<32xi32, #tpu.memory_space<hbm>>) target(%arg5 : memref<32xi32, #tpu.memory_space<vmem>>) target_semaphore(%run_scoped3A : memref<!tpu.dma_semaphore, #tpu.memory_space<semaphore_mem>>)
      %dma_wait3A_9 = tpu.memref_slice %arg3[%mul3A_2] : memref<1024xi32, #tpu.memory_space<hbm>> -> memref<32xi32, #tpu.memory_space<hbm>>
      %dma_wait3A_10 = tpu.memref_slice %arg3[%mul3A_2] : memref<1024xi32, #tpu.memory_space<hbm>> -> memref<32xi32, #tpu.memory_space<hbm>>
      tpu.wait_dma2 semaphore(%run_scoped3A : memref<!tpu.dma_semaphore, #tpu.memory_space<semaphore_mem>>) src(%dma_wait3A_10 : memref<32xi32, #tpu.memory_space<hbm>>) dst(%arg5 : memref<32xi32, #tpu.memory_space<vmem>>)
      tpu.yield
    }) : () -> ()
    %dma_start3A = arith.constant 0 : i32
    %dma_start3A_3 = arith.constant 0 : i32
    %dma_start3A_4 = tpu.memref_slice %arg2[%dma_start3A, %dma_start3A_3] : memref<16384x128xf32, #tpu.memory_space<hbm>> -> memref<16384x128xf32, #tpu.memory_space<hbm>>
    tpu.enqueue_indirect_dma source(%dma_start3A_4 : memref<16384x128xf32, #tpu.memory_space<hbm>>) target(%arg6 : memref<32x128xf32, #tpu.memory_space<vmem>>) offsets(%arg5 : memref<32xi32, #tpu.memory_space<vmem>>) semaphore(%arg7 : memref<!tpu.dma_semaphore, #tpu.memory_space<semaphore_mem>>)
    %dma_wait3A = arith.constant 0 : i32
    %dma_wait3A_5 = arith.constant 0 : i32
    %dma_wait3A_6 = tpu.memref_slice %arg2[%dma_wait3A, %dma_wait3A_5] : memref<16384x128xf32, #tpu.memory_space<hbm>> -> memref<16384x128xf32, #tpu.memory_space<hbm>>
    tpu.wait_indirect_dma semaphore(%arg7 : memref<!tpu.dma_semaphore, #tpu.memory_space<semaphore_mem>>) src(%dma_wait3A_6 : memref<16384x128xf32, #tpu.memory_space<hbm>>) dst(%arg6 : memref<32x128xf32, #tpu.memory_space<vmem>>)
    "tpu.region"() ({
      %run_scoped3A = tpu.sem_alloc : memref<!tpu.dma_semaphore, #tpu.memory_space<semaphore_mem>>
      %dma_start3A_7 = arith.constant 0 : i32
      %dma_start3A_8 = tpu.memref_slice %arg4[%mul3A_2, %dma_start3A_7] : memref<1024x128xf32, #tpu.memory_space<hbm>> -> memref<32x128xf32, #tpu.memory_space<hbm>>
      %dma_start3A_9 = arith.constant 0 : i32
      %dma_start3A_10 = tpu.memref_slice %arg4[%mul3A_2, %dma_start3A_9] : memref<1024x128xf32, #tpu.memory_space<hbm>> -> memref<32x128xf32, #tpu.memory_space<hbm>>
      tpu.enqueue_dma source(%arg6 : memref<32x128xf32, #tpu.memory_space<vmem>>) target(%dma_start3A_10 : memref<32x128xf32, #tpu.memory_space<hbm>>) target_semaphore(%run_scoped3A : memref<!tpu.dma_semaphore, #tpu.memory_space<semaphore_mem>>)
      %dma_wait3A_11 = arith.constant 0 : i32
      %dma_wait3A_12 = tpu.memref_slice %arg4[%mul3A_2, %dma_wait3A_11] : memref<1024x128xf32, #tpu.memory_space<hbm>> -> memref<32x128xf32, #tpu.memory_space<hbm>>
      %dma_wait3A_13 = arith.constant 0 : i32
      %dma_wait3A_14 = tpu.memref_slice %arg4[%mul3A_2, %dma_wait3A_13] : memref<1024x128xf32, #tpu.memory_space<hbm>> -> memref<32x128xf32, #tpu.memory_space<hbm>>
      tpu.wait_dma2 semaphore(%run_scoped3A : memref<!tpu.dma_semaphore, #tpu.memory_space<semaphore_mem>>) src(%arg6 : memref<32x128xf32, #tpu.memory_space<vmem>>) dst(%dma_wait3A_14 : memref<32x128xf32, #tpu.memory_space<hbm>>)
      tpu.yield
    }) : () -> ()
    return
  }
}

#map = affine_map<(d0, d1) -> (0, 0)>
#map1 = affine_map<(d0, d1) -> (0)>
module attributes {stable_mosaic.version = 14 : i64} {
  func.func @gat(%arg0: i32, %arg1: i32, %arg2: memref<16384x128xf32, #tpu.memory_space<hbm>>, %arg3: memref<2048xi32, #tpu.memory_space<hbm>>, %arg4: memref<2048x128xf32, #tpu.memory_space<hbm>>, %arg5: memref<64xi32, #tpu.memory_space<vmem>>, %arg6: memref<64x128xf32, #tpu.memory_space<vmem>>, %arg7: memref<!tpu.dma_semaphore, #tpu.memory_space<semaphore_mem>>) attributes {dimension_semantics = [#tpu.dimension_semantics<core_parallel>, #tpu.dimension_semantics<subcore_parallel>], iteration_bounds = array<i64: 2, 16>, scalar_prefetch = 0 : i64, scratch_operands = 3 : i64, tpu.core_type = #tpu.core_type<sc_vector_subcore>, window_params = [{transform_indices = #map}, {transform_indices = #map1}, {transform_indices = #map}]} {
    %mul3A = arith.constant 2 : i32
    %mul3A_0 = arith.muli %arg1, %mul3A : i32
    %add3A = arith.addi %mul3A_0, %arg0 : i32
    %mul3A_1 = arith.constant 64 : i32
    %mul3A_2 = arith.muli %add3A, %mul3A_1 : i32
    "tpu.region"() ({
      %run_scoped3A = tpu.sem_alloc : memref<!tpu.dma_semaphore, #tpu.memory_space<semaphore_mem>>
      %dma_start3A_7 = tpu.memref_slice %arg3[%mul3A_2] : memref<2048xi32, #tpu.memory_space<hbm>> -> memref<64xi32, #tpu.memory_space<hbm>>
      %dma_start3A_8 = tpu.memref_slice %arg3[%mul3A_2] : memref<2048xi32, #tpu.memory_space<hbm>> -> memref<64xi32, #tpu.memory_space<hbm>>
      tpu.enqueue_dma source(%dma_start3A_8 : memref<64xi32, #tpu.memory_space<hbm>>) target(%arg5 : memref<64xi32, #tpu.memory_space<vmem>>) target_semaphore(%run_scoped3A : memref<!tpu.dma_semaphore, #tpu.memory_space<semaphore_mem>>)
      %dma_wait3A_9 = tpu.memref_slice %arg3[%mul3A_2] : memref<2048xi32, #tpu.memory_space<hbm>> -> memref<64xi32, #tpu.memory_space<hbm>>
      %dma_wait3A_10 = tpu.memref_slice %arg3[%mul3A_2] : memref<2048xi32, #tpu.memory_space<hbm>> -> memref<64xi32, #tpu.memory_space<hbm>>
      tpu.wait_dma2 semaphore(%run_scoped3A : memref<!tpu.dma_semaphore, #tpu.memory_space<semaphore_mem>>) src(%dma_wait3A_10 : memref<64xi32, #tpu.memory_space<hbm>>) dst(%arg5 : memref<64xi32, #tpu.memory_space<vmem>>)
      tpu.yield
    }) : () -> ()
    %dma_start3A = arith.constant 0 : i32
    %dma_start3A_3 = arith.constant 0 : i32
    %dma_start3A_4 = tpu.memref_slice %arg2[%dma_start3A, %dma_start3A_3] : memref<16384x128xf32, #tpu.memory_space<hbm>> -> memref<16384x128xf32, #tpu.memory_space<hbm>>
    tpu.enqueue_indirect_dma source(%dma_start3A_4 : memref<16384x128xf32, #tpu.memory_space<hbm>>) target(%arg6 : memref<64x128xf32, #tpu.memory_space<vmem>>) offsets(%arg5 : memref<64xi32, #tpu.memory_space<vmem>>) semaphore(%arg7 : memref<!tpu.dma_semaphore, #tpu.memory_space<semaphore_mem>>)
    %dma_wait3A = arith.constant 0 : i32
    %dma_wait3A_5 = arith.constant 0 : i32
    %dma_wait3A_6 = tpu.memref_slice %arg2[%dma_wait3A, %dma_wait3A_5] : memref<16384x128xf32, #tpu.memory_space<hbm>> -> memref<16384x128xf32, #tpu.memory_space<hbm>>
    tpu.wait_indirect_dma semaphore(%arg7 : memref<!tpu.dma_semaphore, #tpu.memory_space<semaphore_mem>>) src(%dma_wait3A_6 : memref<16384x128xf32, #tpu.memory_space<hbm>>) dst(%arg6 : memref<64x128xf32, #tpu.memory_space<vmem>>)
    "tpu.region"() ({
      %run_scoped3A = tpu.sem_alloc : memref<!tpu.dma_semaphore, #tpu.memory_space<semaphore_mem>>
      %dma_start3A_7 = arith.constant 0 : i32
      %dma_start3A_8 = tpu.memref_slice %arg4[%mul3A_2, %dma_start3A_7] : memref<2048x128xf32, #tpu.memory_space<hbm>> -> memref<64x128xf32, #tpu.memory_space<hbm>>
      %dma_start3A_9 = arith.constant 0 : i32
      %dma_start3A_10 = tpu.memref_slice %arg4[%mul3A_2, %dma_start3A_9] : memref<2048x128xf32, #tpu.memory_space<hbm>> -> memref<64x128xf32, #tpu.memory_space<hbm>>
      tpu.enqueue_dma source(%arg6 : memref<64x128xf32, #tpu.memory_space<vmem>>) target(%dma_start3A_10 : memref<64x128xf32, #tpu.memory_space<hbm>>) target_semaphore(%run_scoped3A : memref<!tpu.dma_semaphore, #tpu.memory_space<semaphore_mem>>)
      %dma_wait3A_11 = arith.constant 0 : i32
      %dma_wait3A_12 = tpu.memref_slice %arg4[%mul3A_2, %dma_wait3A_11] : memref<2048x128xf32, #tpu.memory_space<hbm>> -> memref<64x128xf32, #tpu.memory_space<hbm>>
      %dma_wait3A_13 = arith.constant 0 : i32
      %dma_wait3A_14 = tpu.memref_slice %arg4[%mul3A_2, %dma_wait3A_13] : memref<2048x128xf32, #tpu.memory_space<hbm>> -> memref<64x128xf32, #tpu.memory_space<hbm>>
      tpu.wait_dma2 semaphore(%run_scoped3A : memref<!tpu.dma_semaphore, #tpu.memory_space<semaphore_mem>>) src(%arg6 : memref<64x128xf32, #tpu.memory_space<vmem>>) dst(%dma_wait3A_14 : memref<64x128xf32, #tpu.memory_space<hbm>>)
      tpu.yield
    }) : () -> ()
    return
  }
}

module attributes {stable_mosaic.version = 14 : i64} {
  func.func @_mask_kernel(%arg0: memref<128x128xf32, #tpu.memory_space<vmem>>, %arg1: memref<128x128xf32, #tpu.memory_space<vmem>>, %arg2: memref<128x128xf32, #tpu.memory_space<vmem>>, %arg3: memref<128x128xf32, #tpu.memory_space<vmem>>) attributes {dimension_semantics = [], scalar_prefetch = 0 : i64, scratch_operands = 0 : i64, tpu.core_type = #tpu.core_type<tc>} {
    %get3A = arith.constant 0 : index
    %get3A_0 = arith.constant 0 : index
    %get3A_1 = vector.load %arg0[%get3A, %get3A_0] : memref<128x128xf32, #tpu.memory_space<vmem>>, vector<128x128xf32>
    %get3A_2 = arith.constant 0 : index
    %get3A_3 = arith.constant 0 : index
    %get3A_4 = vector.load %arg1[%get3A_2, %get3A_3] : memref<128x128xf32, #tpu.memory_space<vmem>>, vector<128x128xf32>
    %gt3A = arith.constant 4.000000e-01 : f32
    %gt3A_5 = vector.broadcast %gt3A : f32 to vector<128x128xf32>
    %gt3A_6 = arith.cmpf ogt, %get3A_1, %gt3A_5 : vector<128x128xf32>
    %jit3A = arith.constant -1.000000e+00 : f32
    %broadcast_in_dim3A = vector.broadcast %jit3A : f32 to vector<128x128xf32>
    %select_n3A = arith.select %gt3A_6, %get3A_1, %broadcast_in_dim3A : vector<128x128xi1>, vector<128x128xf32>
    %swap3A = arith.constant 0 : index
    %swap3A_7 = arith.constant 0 : index
    %swap3A_8 = vector.load %arg2[%swap3A, %swap3A_7] : memref<128x128xf32, #tpu.memory_space<vmem>>, vector<128x128xf32>
    tpu.vector_store %arg2[%swap3A, %swap3A_7], %select_n3A {strides = array<i32>} : memref<128x128xf32, #tpu.memory_space<vmem>>, vector<128x128xf32>,
    %gt3A_9 = arith.constant 3.500000e-01 : f32
    %gt3A_10 = vector.broadcast %gt3A_9 : f32 to vector<128x128xf32>
    %gt3A_11 = arith.cmpf ogt, %get3A_4, %gt3A_10 : vector<128x128xf32>
    %gt3A_12 = arith.constant 4.000000e-01 : f32
    %gt3A_13 = vector.broadcast %gt3A_12 : f32 to vector<128x128xf32>
    %gt3A_14 = arith.cmpf ogt, %get3A_1, %gt3A_13 : vector<128x128xf32>
    %and3A = arith.andi %gt3A_11, %gt3A_14 : vector<128x128xi1>
    %jit3A_15 = arith.constant -1.000000e+00 : f32
    %broadcast_in_dim3A_16 = vector.broadcast %jit3A_15 : f32 to vector<128x128xf32>
    %select_n3A_17 = arith.select %and3A, %get3A_4, %broadcast_in_dim3A_16 : vector<128x128xi1>, vector<128x128xf32>
    %swap3A_18 = arith.constant 0 : index
    %swap3A_19 = arith.constant 0 : index
    %swap3A_20 = vector.load %arg3[%swap3A_18, %swap3A_19] : memref<128x128xf32, #tpu.memory_space<vmem>>, vector<128x128xf32>
    tpu.vector_store %arg3[%swap3A_18, %swap3A_19], %select_n3A_17 {strides = array<i32>} : memref<128x128xf32, #tpu.memory_space<vmem>>, vector<128x128xf32>,
    return
  }
}

module attributes {stable_mosaic.version = 14 : i64} {
  func.func @_nms_kernel(%arg0: memref<128x1024xf32, #tpu.memory_space<vmem>>, %arg1: memref<1x1024xi32, #tpu.memory_space<vmem>>, %arg2: memref<1x1024xf32, #tpu.memory_space<vmem>>, %arg3: memref<1x128xf32, #tpu.memory_space<vmem>>, %arg4: memref<16x1024xf32, #tpu.memory_space<vmem>>, %arg5: memref<8x1024xf32, #tpu.memory_space<vmem>>, %arg6: memref<1024x1024xf32, #tpu.memory_space<vmem>>) attributes {dimension_semantics = [], scalar_prefetch = 0 : i64, scratch_operands = 1 : i64, tpu.core_type = #tpu.core_type<tc>} {
    %get3A = arith.constant 0 : index
    %get3A_0 = arith.constant 0 : index
    %get3A_1 = vector.load %arg1[%get3A, %get3A_0] : memref<1x1024xi32, #tpu.memory_space<vmem>>, vector<1x1024xi32>
    %get3A_2 = arith.constant 0 : index
    %get3A_3 = arith.constant 0 : index
    %get3A_4 = vector.load %arg2[%get3A_2, %get3A_3] : memref<1x1024xf32, #tpu.memory_space<vmem>>, vector<1x1024xf32>
    %get3A_5 = arith.constant 0 : index
    %get3A_6 = arith.constant 0 : index
    %get3A_7 = vector.load %arg0[%get3A_5, %get3A_6] : memref<128x1024xf32, #tpu.memory_space<vmem>>, vector<128x1024xf32>
    %slice3A = vector.extract_strided_slice %get3A_7 {offsets = [0, 0], sizes = [1, 1024], strides = [1, 1]} : vector<128x1024xf32> to vector<1x1024xf32>
    %slice3A_8 = vector.extract_strided_slice %get3A_7 {offsets = [1, 0], sizes = [1, 1024], strides = [1, 1]} : vector<128x1024xf32> to vector<1x1024xf32>
    %slice3A_9 = vector.extract_strided_slice %get3A_7 {offsets = [2, 0], sizes = [1, 1024], strides = [1, 1]} : vector<128x1024xf32> to vector<1x1024xf32>
    %slice3A_10 = vector.extract_strided_slice %get3A_7 {offsets = [3, 0], sizes = [1, 1024], strides = [1, 1]} : vector<128x1024xf32> to vector<1x1024xf32>
    %slice3A_11 = vector.extract_strided_slice %get3A_7 {offsets = [4, 0], sizes = [1, 1024], strides = [1, 1]} : vector<128x1024xf32> to vector<1x1024xf32>
    %slice3A_12 = vector.extract_strided_slice %get3A_7 {offsets = [5, 0], sizes = [1, 1024], strides = [1, 1]} : vector<128x1024xf32> to vector<1x1024xf32>
    %get3A_13 = arith.constant 0 : index
    %get3A_14 = arith.constant 0 : index
    %get3A_15 = vector.load %arg3[%get3A_13, %get3A_14] : memref<1x128xf32, #tpu.memory_space<vmem>>, vector<1x1xf32>
    %get3A_16 = arith.constant 0 : index
    %get3A_17 = arith.constant 1 : index
    %get3A_18 = vector.load %arg3[%get3A_16, %get3A_17] : memref<1x128xf32, #tpu.memory_space<vmem>>, vector<1x1xf32>
    %get3A_19 = arith.constant 0 : index
    %get3A_20 = arith.constant 2 : index
    %get3A_21 = vector.load %arg3[%get3A_19, %get3A_20] : memref<1x128xf32, #tpu.memory_space<vmem>>, vector<1x1xf32>
    %get3A_22 = arith.constant 0 : index
    %get3A_23 = arith.constant 3 : index
    %get3A_24 = vector.load %arg3[%get3A_22, %get3A_23] : memref<1x128xf32, #tpu.memory_space<vmem>>, vector<1x1xf32>
    %and3A = arith.constant 127 : i32
    %and3A_25 = vector.broadcast %and3A : i32 to vector<1x1024xi32>
    %and3A_26 = arith.andi %get3A_1, %and3A_25 : vector<1x1024xi32>
    %convert_element_type3A = arith.sitofp %and3A_26 : vector<1x1024xi32> to vector<1x1024xf32>
    %shift_right_arithmetic3A = arith.constant 7 : i32
    %shift_right_arithmetic3A_27 = vector.broadcast %shift_right_arithmetic3A : i32 to vector<1x1024xi32>
    %shift_right_arithmetic3A_28 = arith.shrsi %get3A_1, %shift_right_arithmetic3A_27 : vector<1x1024xi32>
    %convert_element_type3A_29 = arith.sitofp %shift_right_arithmetic3A_28 : vector<1x1024xi32> to vector<1x1024xf32>
    %mul3A = arith.constant 4.000000e+00 : f32
    %mul3A_30 = vector.broadcast %mul3A : f32 to vector<1x1xf32>
    %mul3A_31 = arith.mulf %get3A_15, %mul3A_30 : vector<1x1xf32>
    %sub3A = arith.subf %convert_element_type3A, %slice3A_9 : vector<1x1024xf32>
    %mul3A_32 = vector.broadcast %mul3A_31 : vector<1x1xf32> to vector<1x1024xf32>
    %mul3A_33 = arith.mulf %mul3A_32, %sub3A : vector<1x1024xf32>
    %mul3A_34 = arith.constant 4.000000e+00 : f32
    %mul3A_35 = vector.broadcast %mul3A_34 : f32 to vector<1x1xf32>
    %mul3A_36 = arith.mulf %get3A_18, %mul3A_35 : vector<1x1xf32>
    %sub3A_37 = arith.subf %convert_element_type3A_29, %slice3A : vector<1x1024xf32>
    %mul3A_38 = vector.broadcast %mul3A_36 : vector<1x1xf32> to vector<1x1024xf32>
    %mul3A_39 = arith.mulf %mul3A_38, %sub3A_37 : vector<1x1024xf32>
    %mul3A_40 = arith.constant 4.000000e+00 : f32
    %mul3A_41 = vector.broadcast %mul3A_40 : f32 to vector<1x1xf32>
    %mul3A_42 = arith.mulf %get3A_15, %mul3A_41 : vector<1x1xf32>
    %add3A = arith.addf %convert_element_type3A, %slice3A_10 : vector<1x1024xf32>
    %mul3A_43 = vector.broadcast %mul3A_42 : vector<1x1xf32> to vector<1x1024xf32>
    %mul3A_44 = arith.mulf %mul3A_43, %add3A : vector<1x1024xf32>
    %mul3A_45 = arith.constant 4.000000e+00 : f32
    %mul3A_46 = vector.broadcast %mul3A_45 : f32 to vector<1x1xf32>
    %mul3A_47 = arith.mulf %get3A_18, %mul3A_46 : vector<1x1xf32>
    %add3A_48 = arith.addf %convert_element_type3A_29, %slice3A_8 : vector<1x1024xf32>
    %mul3A_49 = vector.broadcast %mul3A_47 : vector<1x1xf32> to vector<1x1024xf32>
    %mul3A_50 = arith.mulf %mul3A_49, %add3A_48 : vector<1x1024xf32>
    %mul3A_51 = arith.constant 4.000000e+00 : f32
    %mul3A_52 = vector.broadcast %mul3A_51 : f32 to vector<1x1xf32>
    %mul3A_53 = arith.mulf %get3A_15, %mul3A_52 : vector<1x1xf32>
    %mul3A_54 = vector.broadcast %mul3A_53 : vector<1x1xf32> to vector<1x1024xf32>
    %mul3A_55 = arith.mulf %mul3A_54, %convert_element_type3A : vector<1x1024xf32>
    %mul3A_56 = arith.constant 4.000000e+00 : f32
    %mul3A_57 = vector.broadcast %mul3A_56 : f32 to vector<1x1xf32>
    %mul3A_58 = arith.mulf %get3A_18, %mul3A_57 : vector<1x1xf32>
    %mul3A_59 = vector.broadcast %mul3A_58 : vector<1x1xf32> to vector<1x1024xf32>
    %mul3A_60 = arith.mulf %mul3A_59, %convert_element_type3A_29 : vector<1x1024xf32>
    %sub3A_61 = arith.subf %mul3A_33, %mul3A_55 : vector<1x1024xf32>
    %mul3A_62 = arith.mulf %sub3A_61, %slice3A_11 : vector<1x1024xf32>
    %sub3A_63 = arith.subf %mul3A_39, %mul3A_60 : vector<1x1024xf32>
    %mul3A_64 = arith.mulf %sub3A_63, %slice3A_12 : vector<1x1024xf32>
    %sub3A_65 = arith.subf %mul3A_62, %mul3A_64 : vector<1x1024xf32>
    %add3A_66 = arith.addf %sub3A_65, %mul3A_55 : vector<1x1024xf32>
    %sub3A_67 = arith.subf %mul3A_33, %mul3A_55 : vector<1x1024xf32>
    %mul3A_68 = arith.mulf %sub3A_67, %slice3A_12 : vector<1x1024xf32>
    %sub3A_69 = arith.subf %mul3A_39, %mul3A_60 : vector<1x1024xf32>
    %mul3A_70 = arith.mulf %sub3A_69, %slice3A_11 : vector<1x1024xf32>
    %add3A_71 = arith.addf %mul3A_68, %mul3A_70 : vector<1x1024xf32>
    %add3A_72 = arith.addf %add3A_71, %mul3A_60 : vector<1x1024xf32>
    %sub3A_73 = arith.subf %mul3A_44, %mul3A_55 : vector<1x1024xf32>
    %mul3A_74 = arith.mulf %sub3A_73, %slice3A_11 : vector<1x1024xf32>
    %sub3A_75 = arith.subf %mul3A_39, %mul3A_60 : vector<1x1024xf32>
    %mul3A_76 = arith.mulf %sub3A_75, %slice3A_12 : vector<1x1024xf32>
    %sub3A_77 = arith.subf %mul3A_74, %mul3A_76 : vector<1x1024xf32>
    %add3A_78 = arith.addf %sub3A_77, %mul3A_55 : vector<1x1024xf32>
    %sub3A_79 = arith.subf %mul3A_44, %mul3A_55 : vector<1x1024xf32>
    %mul3A_80 = arith.mulf %sub3A_79, %slice3A_12 : vector<1x1024xf32>
    %sub3A_81 = arith.subf %mul3A_39, %mul3A_60 : vector<1x1024xf32>
    %mul3A_82 = arith.mulf %sub3A_81, %slice3A_11 : vector<1x1024xf32>
    %add3A_83 = arith.addf %mul3A_80, %mul3A_82 : vector<1x1024xf32>
    %add3A_84 = arith.addf %add3A_83, %mul3A_60 : vector<1x1024xf32>
    %sub3A_85 = arith.subf %mul3A_44, %mul3A_55 : vector<1x1024xf32>
    %mul3A_86 = arith.mulf %sub3A_85, %slice3A_11 : vector<1x1024xf32>
    %sub3A_87 = arith.subf %mul3A_50, %mul3A_60 : vector<1x1024xf32>
    %mul3A_88 = arith.mulf %sub3A_87, %slice3A_12 : vector<1x1024xf32>
    %sub3A_89 = arith.subf %mul3A_86, %mul3A_88 : vector<1x1024xf32>
    %add3A_90 = arith.addf %sub3A_89, %mul3A_55 : vector<1x1024xf32>
    %sub3A_91 = arith.subf %mul3A_44, %mul3A_55 : vector<1x1024xf32>
    %mul3A_92 = arith.mulf %sub3A_91, %slice3A_12 : vector<1x1024xf32>
    %sub3A_93 = arith.subf %mul3A_50, %mul3A_60 : vector<1x1024xf32>
    %mul3A_94 = arith.mulf %sub3A_93, %slice3A_11 : vector<1x1024xf32>
    %add3A_95 = arith.addf %mul3A_92, %mul3A_94 : vector<1x1024xf32>
    %add3A_96 = arith.addf %add3A_95, %mul3A_60 : vector<1x1024xf32>
    %sub3A_97 = arith.subf %mul3A_33, %mul3A_55 : vector<1x1024xf32>
    %mul3A_98 = arith.mulf %sub3A_97, %slice3A_11 : vector<1x1024xf32>
    %sub3A_99 = arith.subf %mul3A_50, %mul3A_60 : vector<1x1024xf32>
    %mul3A_100 = arith.mulf %sub3A_99, %slice3A_12 : vector<1x1024xf32>
    %sub3A_101 = arith.subf %mul3A_98, %mul3A_100 : vector<1x1024xf32>
    %add3A_102 = arith.addf %sub3A_101, %mul3A_55 : vector<1x1024xf32>
    %sub3A_103 = arith.subf %mul3A_33, %mul3A_55 : vector<1x1024xf32>
    %mul3A_104 = arith.mulf %sub3A_103, %slice3A_12 : vector<1x1024xf32>
    %sub3A_105 = arith.subf %mul3A_50, %mul3A_60 : vector<1x1024xf32>
    %mul3A_106 = arith.mulf %sub3A_105, %slice3A_11 : vector<1x1024xf32>
    %add3A_107 = arith.addf %mul3A_104, %mul3A_106 : vector<1x1024xf32>
    %add3A_108 = arith.addf %add3A_107, %mul3A_60 : vector<1x1024xf32>
    %min3A = arith.minimumf %add3A_66, %add3A_78 : vector<1x1024xf32>
    %min3A_109 = arith.minimumf %add3A_90, %add3A_102 : vector<1x1024xf32>
    %min3A_110 = arith.minimumf %min3A, %min3A_109 : vector<1x1024xf32>
    %max3A = arith.maximumf %add3A_66, %add3A_78 : vector<1x1024xf32>
    %max3A_111 = arith.maximumf %add3A_90, %add3A_102 : vector<1x1024xf32>
    %max3A_112 = arith.maximumf %max3A, %max3A_111 : vector<1x1024xf32>
    %min3A_113 = arith.minimumf %add3A_72, %add3A_84 : vector<1x1024xf32>
    %min3A_114 = arith.minimumf %add3A_96, %add3A_108 : vector<1x1024xf32>
    %min3A_115 = arith.minimumf %min3A_113, %min3A_114 : vector<1x1024xf32>
    %max3A_116 = arith.maximumf %add3A_72, %add3A_84 : vector<1x1024xf32>
    %max3A_117 = arith.maximumf %add3A_96, %add3A_108 : vector<1x1024xf32>
    %max3A_118 = arith.maximumf %max3A_116, %max3A_117 : vector<1x1024xf32>
    %sub3A_119 = arith.subf %max3A_112, %min3A_110 : vector<1x1024xf32>
    %jit3A = arith.constant 0.000000e+00 : f32
    %max3A_120 = vector.broadcast %jit3A : f32 to vector<1x1024xf32>
    %max3A_121 = arith.maximumf %max3A_120, %sub3A_119 : vector<1x1024xf32>
    %sub3A_122 = arith.subf %max3A_118, %min3A_115 : vector<1x1024xf32>
    %jit3A_123 = arith.constant 0.000000e+00 : f32
    %max3A_124 = vector.broadcast %jit3A_123 : f32 to vector<1x1024xf32>
    %max3A_125 = arith.maximumf %max3A_124, %sub3A_122 : vector<1x1024xf32>
    %mul3A_126 = arith.mulf %max3A_121, %max3A_125 : vector<1x1024xf32>
    %iota3A = tpu.iota {dimensions = array<i32: 0>} : vector<256x256xi32>
    %iota3A_127 = tpu.iota {dimensions = array<i32: 1>} : vector<256x256xi32>
    %eq3A = arith.cmpi eq, %iota3A, %iota3A_127 : vector<256x256xi32>
    %convert_element_type3A_128 = arith.extui %eq3A : vector<256x256xi1> to vector<256x256xi32>
    %convert_element_type3A_129 = arith.sitofp %convert_element_type3A_128 : vector<256x256xi32> to vector<256x256xf32>
    %slice3A_130 = vector.extract_strided_slice %min3A_110 {offsets = [0, 0], sizes = [1, 256], strides = [1, 1]} : vector<1x1024xf32> to vector<1x256xf32>
    %dot_general3A = arith.constant dense<0.000000e+00> : vector<256x1xf32>
    %dot_general3A_131 = tpu.matmul %convert_element_type3A_129, %slice3A_130, %dot_general3A {dimension_numbers = #tpu.dot_dimension_numbers<[1], [1], [0], [0], [0, 0, 1, 0], [], []>, precision = #tpu.contract_precision<fp32>, transpose_lhs_hint = false} : vector<256x256xf32>, vector<1x256xf32>, vector<256x1xf32> -> vector<256x1xf32>
    %slice3A_132 = vector.extract_strided_slice %min3A_115 {offsets = [0, 0], sizes = [1, 256], strides = [1, 1]} : vector<1x1024xf32> to vector<1x256xf32>
    %dot_general3A_133 = arith.constant dense<0.000000e+00> : vector<256x1xf32>
    %dot_general3A_134 = tpu.matmul %convert_element_type3A_129, %slice3A_132, %dot_general3A_133 {dimension_numbers = #tpu.dot_dimension_numbers<[1], [1], [0], [0], [0, 0, 1, 0], [], []>, precision = #tpu.contract_precision<fp32>, transpose_lhs_hint = false} : vector<256x256xf32>, vector<1x256xf32>, vector<256x1xf32> -> vector<256x1xf32>
    %slice3A_135 = vector.extract_strided_slice %max3A_112 {offsets = [0, 0], sizes = [1, 256], strides = [1, 1]} : vector<1x1024xf32> to vector<1x256xf32>
    %dot_general3A_136 = arith.constant dense<0.000000e+00> : vector<256x1xf32>
    %dot_general3A_137 = tpu.matmul %convert_element_type3A_129, %slice3A_135, %dot_general3A_136 {dimension_numbers = #tpu.dot_dimension_numbers<[1], [1], [0], [0], [0, 0, 1, 0], [], []>, precision = #tpu.contract_precision<fp32>, transpose_lhs_hint = false} : vector<256x256xf32>, vector<1x256xf32>, vector<256x1xf32> -> vector<256x1xf32>
    %slice3A_138 = vector.extract_strided_slice %max3A_118 {offsets = [0, 0], sizes = [1, 256], strides = [1, 1]} : vector<1x1024xf32> to vector<1x256xf32>
    %dot_general3A_139 = arith.constant dense<0.000000e+00> : vector<256x1xf32>
    %dot_general3A_140 = tpu.matmul %convert_element_type3A_129, %slice3A_138, %dot_general3A_139 {dimension_numbers = #tpu.dot_dimension_numbers<[1], [1], [0], [0], [0, 0, 1, 0], [], []>, precision = #tpu.contract_precision<fp32>, transpose_lhs_hint = false} : vector<256x256xf32>, vector<1x256xf32>, vector<256x1xf32> -> vector<256x1xf32>
    %slice3A_141 = vector.extract_strided_slice %mul3A_126 {offsets = [0, 0], sizes = [1, 256], strides = [1, 1]} : vector<1x1024xf32> to vector<1x256xf32>
    %dot_general3A_142 = arith.constant dense<0.000000e+00> : vector<256x1xf32>
    %dot_general3A_143 = tpu.matmul %convert_element_type3A_129, %slice3A_141, %dot_general3A_142 {dimension_numbers = #tpu.dot_dimension_numbers<[1], [1], [0], [0], [0, 0, 1, 0], [], []>, precision = #tpu.contract_precision<fp32>, transpose_lhs_hint = false} : vector<256x256xf32>, vector<1x256xf32>, vector<256x1xf32> -> vector<256x1xf32>
    %max3A_144 = vector.broadcast %dot_general3A_131 : vector<256x1xf32> to vector<256x1024xf32>
    %max3A_145 = vector.broadcast %min3A_110 : vector<1x1024xf32> to vector<256x1024xf32>
    %max3A_146 = arith.maximumf %max3A_144, %max3A_145 : vector<256x1024xf32>
    %max3A_147 = vector.broadcast %dot_general3A_134 : vector<256x1xf32> to vector<256x1024xf32>
    %max3A_148 = vector.broadcast %min3A_115 : vector<1x1024xf32> to vector<256x1024xf32>
    %max3A_149 = arith.maximumf %max3A_147, %max3A_148 : vector<256x1024xf32>
    %min3A_150 = vector.broadcast %dot_general3A_137 : vector<256x1xf32> to vector<256x1024xf32>
    %min3A_151 = vector.broadcast %max3A_112 : vector<1x1024xf32> to vector<256x1024xf32>
    %min3A_152 = arith.minimumf %min3A_150, %min3A_151 : vector<256x1024xf32>
    %min3A_153 = vector.broadcast %dot_general3A_140 : vector<256x1xf32> to vector<256x1024xf32>
    %min3A_154 = vector.broadcast %max3A_118 : vector<1x1024xf32> to vector<256x1024xf32>
    %min3A_155 = arith.minimumf %min3A_153, %min3A_154 : vector<256x1024xf32>
    %sub3A_156 = arith.subf %min3A_152, %max3A_146 : vector<256x1024xf32>
    %jit3A_157 = arith.constant 0.000000e+00 : f32
    %max3A_158 = vector.broadcast %jit3A_157 : f32 to vector<256x1024xf32>
    %max3A_159 = arith.maximumf %max3A_158, %sub3A_156 : vector<256x1024xf32>
    %sub3A_160 = arith.subf %min3A_155, %max3A_149 : vector<256x1024xf32>
    %jit3A_161 = arith.constant 0.000000e+00 : f32
    %max3A_162 = vector.broadcast %jit3A_161 : f32 to vector<256x1024xf32>
    %max3A_163 = arith.maximumf %max3A_162, %sub3A_160 : vector<256x1024xf32>
    %mul3A_164 = arith.mulf %max3A_159, %max3A_163 : vector<256x1024xf32>
    %add3A_165 = vector.broadcast %dot_general3A_143 : vector<256x1xf32> to vector<256x1024xf32>
    %add3A_166 = vector.broadcast %mul3A_126 : vector<1x1024xf32> to vector<256x1024xf32>
    %add3A_167 = arith.addf %add3A_165, %add3A_166 : vector<256x1024xf32>
    %sub3A_168 = arith.subf %add3A_167, %mul3A_164 : vector<256x1024xf32>
    %add3A_169 = arith.constant 9.99999971E-10 : f32
    %add3A_170 = vector.broadcast %add3A_169 : f32 to vector<256x1024xf32>
    %add3A_171 = arith.addf %sub3A_168, %add3A_170 : vector<256x1024xf32>
    %mul3A_172 = arith.constant 5.000000e-01 : f32
    %mul3A_173 = vector.broadcast %mul3A_172 : f32 to vector<256x1024xf32>
    %mul3A_174 = arith.mulf %mul3A_173, %add3A_171 : vector<256x1024xf32>
    %gt3A = arith.cmpf ogt, %mul3A_164, %mul3A_174 : vector<256x1024xf32>
    %convert_element_type3A_175 = arith.extui %gt3A : vector<256x1024xi1> to vector<256x1024xi32>
    %convert_element_type3A_176 = arith.sitofp %convert_element_type3A_175 : vector<256x1024xi32> to vector<256x1024xf32>
    %swap3A = arith.constant 0 : index
    %swap3A_177 = arith.constant 0 : index
    %swap3A_178 = vector.load %arg6[%swap3A, %swap3A_177] : memref<1024x1024xf32, #tpu.memory_space<vmem>>, vector<256x1024xf32>
    tpu.vector_store %arg6[%swap3A, %swap3A_177], %convert_element_type3A_176 {strides = array<i32>} : memref<1024x1024xf32, #tpu.memory_space<vmem>>, vector<256x1024xf32>,
    %slice3A_179 = vector.extract_strided_slice %min3A_110 {offsets = [0, 256], sizes = [1, 256], strides = [1, 1]} : vector<1x1024xf32> to vector<1x256xf32>
    %dot_general3A_180 = arith.constant dense<0.000000e+00> : vector<256x1xf32>
    %dot_general3A_181 = tpu.matmul %convert_element_type3A_129, %slice3A_179, %dot_general3A_180 {dimension_numbers = #tpu.dot_dimension_numbers<[1], [1], [0], [0], [0, 0, 1, 0], [], []>, precision = #tpu.contract_precision<fp32>, transpose_lhs_hint = false} : vector<256x256xf32>, vector<1x256xf32>, vector<256x1xf32> -> vector<256x1xf32>
    %slice3A_182 = vector.extract_strided_slice %min3A_115 {offsets = [0, 256], sizes = [1, 256], strides = [1, 1]} : vector<1x1024xf32> to vector<1x256xf32>
    %dot_general3A_183 = arith.constant dense<0.000000e+00> : vector<256x1xf32>
    %dot_general3A_184 = tpu.matmul %convert_element_type3A_129, %slice3A_182, %dot_general3A_183 {dimension_numbers = #tpu.dot_dimension_numbers<[1], [1], [0], [0], [0, 0, 1, 0], [], []>, precision = #tpu.contract_precision<fp32>, transpose_lhs_hint = false} : vector<256x256xf32>, vector<1x256xf32>, vector<256x1xf32> -> vector<256x1xf32>
    %slice3A_185 = vector.extract_strided_slice %max3A_112 {offsets = [0, 256], sizes = [1, 256], strides = [1, 1]} : vector<1x1024xf32> to vector<1x256xf32>
    %dot_general3A_186 = arith.constant dense<0.000000e+00> : vector<256x1xf32>
    %dot_general3A_187 = tpu.matmul %convert_element_type3A_129, %slice3A_185, %dot_general3A_186 {dimension_numbers = #tpu.dot_dimension_numbers<[1], [1], [0], [0], [0, 0, 1, 0], [], []>, precision = #tpu.contract_precision<fp32>, transpose_lhs_hint = false} : vector<256x256xf32>, vector<1x256xf32>, vector<256x1xf32> -> vector<256x1xf32>
    %slice3A_188 = vector.extract_strided_slice %max3A_118 {offsets = [0, 256], sizes = [1, 256], strides = [1, 1]} : vector<1x1024xf32> to vector<1x256xf32>
    %dot_general3A_189 = arith.constant dense<0.000000e+00> : vector<256x1xf32>
    %dot_general3A_190 = tpu.matmul %convert_element_type3A_129, %slice3A_188, %dot_general3A_189 {dimension_numbers = #tpu.dot_dimension_numbers<[1], [1], [0], [0], [0, 0, 1, 0], [], []>, precision = #tpu.contract_precision<fp32>, transpose_lhs_hint = false} : vector<256x256xf32>, vector<1x256xf32>, vector<256x1xf32> -> vector<256x1xf32>
    %slice3A_191 = vector.extract_strided_slice %mul3A_126 {offsets = [0, 256], sizes = [1, 256], strides = [1, 1]} : vector<1x1024xf32> to vector<1x256xf32>
    %dot_general3A_192 = arith.constant dense<0.000000e+00> : vector<256x1xf32>
    %dot_general3A_193 = tpu.matmul %convert_element_type3A_129, %slice3A_191, %dot_general3A_192 {dimension_numbers = #tpu.dot_dimension_numbers<[1], [1], [0], [0], [0, 0, 1, 0], [], []>, precision = #tpu.contract_precision<fp32>, transpose_lhs_hint = false} : vector<256x256xf32>, vector<1x256xf32>, vector<256x1xf32> -> vector<256x1xf32>
    %max3A_194 = vector.broadcast %dot_general3A_181 : vector<256x1xf32> to vector<256x1024xf32>
    %max3A_195 = vector.broadcast %min3A_110 : vector<1x1024xf32> to vector<256x1024xf32>
    %max3A_196 = arith.maximumf %max3A_194, %max3A_195 : vector<256x1024xf32>
    %max3A_197 = vector.broadcast %dot_general3A_184 : vector<256x1xf32> to vector<256x1024xf32>
    %max3A_198 = vector.broadcast %min3A_115 : vector<1x1024xf32> to vector<256x1024xf32>
    %max3A_199 = arith.maximumf %max3A_197, %max3A_198 : vector<256x1024xf32>
    %min3A_200 = vector.broadcast %dot_general3A_187 : vector<256x1xf32> to vector<256x1024xf32>
    %min3A_201 = vector.broadcast %max3A_112 : vector<1x1024xf32> to vector<256x1024xf32>
    %min3A_202 = arith.minimumf %min3A_200, %min3A_201 : vector<256x1024xf32>
    %min3A_203 = vector.broadcast %dot_general3A_190 : vector<256x1xf32> to vector<256x1024xf32>
    %min3A_204 = vector.broadcast %max3A_118 : vector<1x1024xf32> to vector<256x1024xf32>
    %min3A_205 = arith.minimumf %min3A_203, %min3A_204 : vector<256x1024xf32>
    %sub3A_206 = arith.subf %min3A_202, %max3A_196 : vector<256x1024xf32>
    %jit3A_207 = arith.constant 0.000000e+00 : f32
    %max3A_208 = vector.broadcast %jit3A_207 : f32 to vector<256x1024xf32>
    %max3A_209 = arith.maximumf %max3A_208, %sub3A_206 : vector<256x1024xf32>
    %sub3A_210 = arith.subf %min3A_205, %max3A_199 : vector<256x1024xf32>
    %jit3A_211 = arith.constant 0.000000e+00 : f32
    %max3A_212 = vector.broadcast %jit3A_211 : f32 to vector<256x1024xf32>
    %max3A_213 = arith.maximumf %max3A_212, %sub3A_210 : vector<256x1024xf32>
    %mul3A_214 = arith.mulf %max3A_209, %max3A_213 : vector<256x1024xf32>
    %add3A_215 = vector.broadcast %dot_general3A_193 : vector<256x1xf32> to vector<256x1024xf32>
    %add3A_216 = vector.broadcast %mul3A_126 : vector<1x1024xf32> to vector<256x1024xf32>
    %add3A_217 = arith.addf %add3A_215, %add3A_216 : vector<256x1024xf32>
    %sub3A_218 = arith.subf %add3A_217, %mul3A_214 : vector<256x1024xf32>
    %add3A_219 = arith.constant 9.99999971E-10 : f32
    %add3A_220 = vector.broadcast %add3A_219 : f32 to vector<256x1024xf32>
    %add3A_221 = arith.addf %sub3A_218, %add3A_220 : vector<256x1024xf32>
    %mul3A_222 = arith.constant 5.000000e-01 : f32
    %mul3A_223 = vector.broadcast %mul3A_222 : f32 to vector<256x1024xf32>
    %mul3A_224 = arith.mulf %mul3A_223, %add3A_221 : vector<256x1024xf32>
    %gt3A_225 = arith.cmpf ogt, %mul3A_214, %mul3A_224 : vector<256x1024xf32>
    %convert_element_type3A_226 = arith.extui %gt3A_225 : vector<256x1024xi1> to vector<256x1024xi32>
    %convert_element_type3A_227 = arith.sitofp %convert_element_type3A_226 : vector<256x1024xi32> to vector<256x1024xf32>
    %swap3A_228 = arith.constant 256 : index
    %swap3A_229 = arith.constant 0 : index
    %swap3A_230 = vector.load %arg6[%swap3A_228, %swap3A_229] : memref<1024x1024xf32, #tpu.memory_space<vmem>>, vector<256x1024xf32>
    tpu.vector_store %arg6[%swap3A_228, %swap3A_229], %convert_element_type3A_227 {strides = array<i32>} : memref<1024x1024xf32, #tpu.memory_space<vmem>>, vector<256x1024xf32>,
    %slice3A_231 = vector.extract_strided_slice %min3A_110 {offsets = [0, 512], sizes = [1, 256], strides = [1, 1]} : vector<1x1024xf32> to vector<1x256xf32>
    %dot_general3A_232 = arith.constant dense<0.000000e+00> : vector<256x1xf32>
    %dot_general3A_233 = tpu.matmul %convert_element_type3A_129, %slice3A_231, %dot_general3A_232 {dimension_numbers = #tpu.dot_dimension_numbers<[1], [1], [0], [0], [0, 0, 1, 0], [], []>, precision = #tpu.contract_precision<fp32>, transpose_lhs_hint = false} : vector<256x256xf32>, vector<1x256xf32>, vector<256x1xf32> -> vector<256x1xf32>
    %slice3A_234 = vector.extract_strided_slice %min3A_115 {offsets = [0, 512], sizes = [1, 256], strides = [1, 1]} : vector<1x1024xf32> to vector<1x256xf32>
    %dot_general3A_235 = arith.constant dense<0.000000e+00> : vector<256x1xf32>
    %dot_general3A_236 = tpu.matmul %convert_element_type3A_129, %slice3A_234, %dot_general3A_235 {dimension_numbers = #tpu.dot_dimension_numbers<[1], [1], [0], [0], [0, 0, 1, 0], [], []>, precision = #tpu.contract_precision<fp32>, transpose_lhs_hint = false} : vector<256x256xf32>, vector<1x256xf32>, vector<256x1xf32> -> vector<256x1xf32>
    %slice3A_237 = vector.extract_strided_slice %max3A_112 {offsets = [0, 512], sizes = [1, 256], strides = [1, 1]} : vector<1x1024xf32> to vector<1x256xf32>
    %dot_general3A_238 = arith.constant dense<0.000000e+00> : vector<256x1xf32>
    %dot_general3A_239 = tpu.matmul %convert_element_type3A_129, %slice3A_237, %dot_general3A_238 {dimension_numbers = #tpu.dot_dimension_numbers<[1], [1], [0], [0], [0, 0, 1, 0], [], []>, precision = #tpu.contract_precision<fp32>, transpose_lhs_hint = false} : vector<256x256xf32>, vector<1x256xf32>, vector<256x1xf32> -> vector<256x1xf32>
    %slice3A_240 = vector.extract_strided_slice %max3A_118 {offsets = [0, 512], sizes = [1, 256], strides = [1, 1]} : vector<1x1024xf32> to vector<1x256xf32>
    %dot_general3A_241 = arith.constant dense<0.000000e+00> : vector<256x1xf32>
    %dot_general3A_242 = tpu.matmul %convert_element_type3A_129, %slice3A_240, %dot_general3A_241 {dimension_numbers = #tpu.dot_dimension_numbers<[1], [1], [0], [0], [0, 0, 1, 0], [], []>, precision = #tpu.contract_precision<fp32>, transpose_lhs_hint = false} : vector<256x256xf32>, vector<1x256xf32>, vector<256x1xf32> -> vector<256x1xf32>
    %slice3A_243 = vector.extract_strided_slice %mul3A_126 {offsets = [0, 512], sizes = [1, 256], strides = [1, 1]} : vector<1x1024xf32> to vector<1x256xf32>
    %dot_general3A_244 = arith.constant dense<0.000000e+00> : vector<256x1xf32>
    %dot_general3A_245 = tpu.matmul %convert_element_type3A_129, %slice3A_243, %dot_general3A_244 {dimension_numbers = #tpu.dot_dimension_numbers<[1], [1], [0], [0], [0, 0, 1, 0], [], []>, precision = #tpu.contract_precision<fp32>, transpose_lhs_hint = false} : vector<256x256xf32>, vector<1x256xf32>, vector<256x1xf32> -> vector<256x1xf32>
    %max3A_246 = vector.broadcast %dot_general3A_233 : vector<256x1xf32> to vector<256x1024xf32>
    %max3A_247 = vector.broadcast %min3A_110 : vector<1x1024xf32> to vector<256x1024xf32>
    %max3A_248 = arith.maximumf %max3A_246, %max3A_247 : vector<256x1024xf32>
    %max3A_249 = vector.broadcast %dot_general3A_236 : vector<256x1xf32> to vector<256x1024xf32>
    %max3A_250 = vector.broadcast %min3A_115 : vector<1x1024xf32> to vector<256x1024xf32>
    %max3A_251 = arith.maximumf %max3A_249, %max3A_250 : vector<256x1024xf32>
    %min3A_252 = vector.broadcast %dot_general3A_239 : vector<256x1xf32> to vector<256x1024xf32>
    %min3A_253 = vector.broadcast %max3A_112 : vector<1x1024xf32> to vector<256x1024xf32>
    %min3A_254 = arith.minimumf %min3A_252, %min3A_253 : vector<256x1024xf32>
    %min3A_255 = vector.broadcast %dot_general3A_242 : vector<256x1xf32> to vector<256x1024xf32>
    %min3A_256 = vector.broadcast %max3A_118 : vector<1x1024xf32> to vector<256x1024xf32>
    %min3A_257 = arith.minimumf %min3A_255, %min3A_256 : vector<256x1024xf32>
    %sub3A_258 = arith.subf %min3A_254, %max3A_248 : vector<256x1024xf32>
    %jit3A_259 = arith.constant 0.000000e+00 : f32
    %max3A_260 = vector.broadcast %jit3A_259 : f32 to vector<256x1024xf32>
    %max3A_261 = arith.maximumf %max3A_260, %sub3A_258 : vector<256x1024xf32>
    %sub3A_262 = arith.subf %min3A_257, %max3A_251 : vector<256x1024xf32>
    %jit3A_263 = arith.constant 0.000000e+00 : f32
    %max3A_264 = vector.broadcast %jit3A_263 : f32 to vector<256x1024xf32>
    %max3A_265 = arith.maximumf %max3A_264, %sub3A_262 : vector<256x1024xf32>
    %mul3A_266 = arith.mulf %max3A_261, %max3A_265 : vector<256x1024xf32>
    %add3A_267 = vector.broadcast %dot_general3A_245 : vector<256x1xf32> to vector<256x1024xf32>
    %add3A_268 = vector.broadcast %mul3A_126 : vector<1x1024xf32> to vector<256x1024xf32>
    %add3A_269 = arith.addf %add3A_267, %add3A_268 : vector<256x1024xf32>
    %sub3A_270 = arith.subf %add3A_269, %mul3A_266 : vector<256x1024xf32>
    %add3A_271 = arith.constant 9.99999971E-10 : f32
    %add3A_272 = vector.broadcast %add3A_271 : f32 to vector<256x1024xf32>
    %add3A_273 = arith.addf %sub3A_270, %add3A_272 : vector<256x1024xf32>
    %mul3A_274 = arith.constant 5.000000e-01 : f32
    %mul3A_275 = vector.broadcast %mul3A_274 : f32 to vector<256x1024xf32>
    %mul3A_276 = arith.mulf %mul3A_275, %add3A_273 : vector<256x1024xf32>
    %gt3A_277 = arith.cmpf ogt, %mul3A_266, %mul3A_276 : vector<256x1024xf32>
    %convert_element_type3A_278 = arith.extui %gt3A_277 : vector<256x1024xi1> to vector<256x1024xi32>
    %convert_element_type3A_279 = arith.sitofp %convert_element_type3A_278 : vector<256x1024xi32> to vector<256x1024xf32>
    %swap3A_280 = arith.constant 512 : index
    %swap3A_281 = arith.constant 0 : index
    %swap3A_282 = vector.load %arg6[%swap3A_280, %swap3A_281] : memref<1024x1024xf32, #tpu.memory_space<vmem>>, vector<256x1024xf32>
    tpu.vector_store %arg6[%swap3A_280, %swap3A_281], %convert_element_type3A_279 {strides = array<i32>} : memref<1024x1024xf32, #tpu.memory_space<vmem>>, vector<256x1024xf32>,
    %slice3A_283 = vector.extract_strided_slice %min3A_110 {offsets = [0, 768], sizes = [1, 256], strides = [1, 1]} : vector<1x1024xf32> to vector<1x256xf32>
    %dot_general3A_284 = arith.constant dense<0.000000e+00> : vector<256x1xf32>
    %dot_general3A_285 = tpu.matmul %convert_element_type3A_129, %slice3A_283, %dot_general3A_284 {dimension_numbers = #tpu.dot_dimension_numbers<[1], [1], [0], [0], [0, 0, 1, 0], [], []>, precision = #tpu.contract_precision<fp32>, transpose_lhs_hint = false} : vector<256x256xf32>, vector<1x256xf32>, vector<256x1xf32> -> vector<256x1xf32>
    %slice3A_286 = vector.extract_strided_slice %min3A_115 {offsets = [0, 768], sizes = [1, 256], strides = [1, 1]} : vector<1x1024xf32> to vector<1x256xf32>
    %dot_general3A_287 = arith.constant dense<0.000000e+00> : vector<256x1xf32>
    %dot_general3A_288 = tpu.matmul %convert_element_type3A_129, %slice3A_286, %dot_general3A_287 {dimension_numbers = #tpu.dot_dimension_numbers<[1], [1], [0], [0], [0, 0, 1, 0], [], []>, precision = #tpu.contract_precision<fp32>, transpose_lhs_hint = false} : vector<256x256xf32>, vector<1x256xf32>, vector<256x1xf32> -> vector<256x1xf32>
    %slice3A_289 = vector.extract_strided_slice %max3A_112 {offsets = [0, 768], sizes = [1, 256], strides = [1, 1]} : vector<1x1024xf32> to vector<1x256xf32>
    %dot_general3A_290 = arith.constant dense<0.000000e+00> : vector<256x1xf32>
    %dot_general3A_291 = tpu.matmul %convert_element_type3A_129, %slice3A_289, %dot_general3A_290 {dimension_numbers = #tpu.dot_dimension_numbers<[1], [1], [0], [0], [0, 0, 1, 0], [], []>, precision = #tpu.contract_precision<fp32>, transpose_lhs_hint = false} : vector<256x256xf32>, vector<1x256xf32>, vector<256x1xf32> -> vector<256x1xf32>
    %slice3A_292 = vector.extract_strided_slice %max3A_118 {offsets = [0, 768], sizes = [1, 256], strides = [1, 1]} : vector<1x1024xf32> to vector<1x256xf32>
    %dot_general3A_293 = arith.constant dense<0.000000e+00> : vector<256x1xf32>
    %dot_general3A_294 = tpu.matmul %convert_element_type3A_129, %slice3A_292, %dot_general3A_293 {dimension_numbers = #tpu.dot_dimension_numbers<[1], [1], [0], [0], [0, 0, 1, 0], [], []>, precision = #tpu.contract_precision<fp32>, transpose_lhs_hint = false} : vector<256x256xf32>, vector<1x256xf32>, vector<256x1xf32> -> vector<256x1xf32>
    %slice3A_295 = vector.extract_strided_slice %mul3A_126 {offsets = [0, 768], sizes = [1, 256], strides = [1, 1]} : vector<1x1024xf32> to vector<1x256xf32>
    %dot_general3A_296 = arith.constant dense<0.000000e+00> : vector<256x1xf32>
    %dot_general3A_297 = tpu.matmul %convert_element_type3A_129, %slice3A_295, %dot_general3A_296 {dimension_numbers = #tpu.dot_dimension_numbers<[1], [1], [0], [0], [0, 0, 1, 0], [], []>, precision = #tpu.contract_precision<fp32>, transpose_lhs_hint = false} : vector<256x256xf32>, vector<1x256xf32>, vector<256x1xf32> -> vector<256x1xf32>
    %max3A_298 = vector.broadcast %dot_general3A_285 : vector<256x1xf32> to vector<256x1024xf32>
    %max3A_299 = vector.broadcast %min3A_110 : vector<1x1024xf32> to vector<256x1024xf32>
    %max3A_300 = arith.maximumf %max3A_298, %max3A_299 : vector<256x1024xf32>
    %max3A_301 = vector.broadcast %dot_general3A_288 : vector<256x1xf32> to vector<256x1024xf32>
    %max3A_302 = vector.broadcast %min3A_115 : vector<1x1024xf32> to vector<256x1024xf32>
    %max3A_303 = arith.maximumf %max3A_301, %max3A_302 : vector<256x1024xf32>
    %min3A_304 = vector.broadcast %dot_general3A_291 : vector<256x1xf32> to vector<256x1024xf32>
    %min3A_305 = vector.broadcast %max3A_112 : vector<1x1024xf32> to vector<256x1024xf32>
    %min3A_306 = arith.minimumf %min3A_304, %min3A_305 : vector<256x1024xf32>
    %min3A_307 = vector.broadcast %dot_general3A_294 : vector<256x1xf32> to vector<256x1024xf32>
    %min3A_308 = vector.broadcast %max3A_118 : vector<1x1024xf32> to vector<256x1024xf32>
    %min3A_309 = arith.minimumf %min3A_307, %min3A_308 : vector<256x1024xf32>
    %sub3A_310 = arith.subf %min3A_306, %max3A_300 : vector<256x1024xf32>
    %jit3A_311 = arith.constant 0.000000e+00 : f32
    %max3A_312 = vector.broadcast %jit3A_311 : f32 to vector<256x1024xf32>
    %max3A_313 = arith.maximumf %max3A_312, %sub3A_310 : vector<256x1024xf32>
    %sub3A_314 = arith.subf %min3A_309, %max3A_303 : vector<256x1024xf32>
    %jit3A_315 = arith.constant 0.000000e+00 : f32
    %max3A_316 = vector.broadcast %jit3A_315 : f32 to vector<256x1024xf32>
    %max3A_317 = arith.maximumf %max3A_316, %sub3A_314 : vector<256x1024xf32>
    %mul3A_318 = arith.mulf %max3A_313, %max3A_317 : vector<256x1024xf32>
    %add3A_319 = vector.broadcast %dot_general3A_297 : vector<256x1xf32> to vector<256x1024xf32>
    %add3A_320 = vector.broadcast %mul3A_126 : vector<1x1024xf32> to vector<256x1024xf32>
    %add3A_321 = arith.addf %add3A_319, %add3A_320 : vector<256x1024xf32>
    %sub3A_322 = arith.subf %add3A_321, %mul3A_318 : vector<256x1024xf32>
    %add3A_323 = arith.constant 9.99999971E-10 : f32
    %add3A_324 = vector.broadcast %add3A_323 : f32 to vector<256x1024xf32>
    %add3A_325 = arith.addf %sub3A_322, %add3A_324 : vector<256x1024xf32>
    %mul3A_326 = arith.constant 5.000000e-01 : f32
    %mul3A_327 = vector.broadcast %mul3A_326 : f32 to vector<256x1024xf32>
    %mul3A_328 = arith.mulf %mul3A_327, %add3A_325 : vector<256x1024xf32>
    %gt3A_329 = arith.cmpf ogt, %mul3A_318, %mul3A_328 : vector<256x1024xf32>
    %convert_element_type3A_330 = arith.extui %gt3A_329 : vector<256x1024xi1> to vector<256x1024xi32>
    %convert_element_type3A_331 = arith.sitofp %convert_element_type3A_330 : vector<256x1024xi32> to vector<256x1024xf32>
    %swap3A_332 = arith.constant 768 : index
    %swap3A_333 = arith.constant 0 : index
    %swap3A_334 = vector.load %arg6[%swap3A_332, %swap3A_333] : memref<1024x1024xf32, #tpu.memory_space<vmem>>, vector<256x1024xf32>
    tpu.vector_store %arg6[%swap3A_332, %swap3A_333], %convert_element_type3A_331 {strides = array<i32>} : memref<1024x1024xf32, #tpu.memory_space<vmem>>, vector<256x1024xf32>,
    %gt3A_335 = arith.constant 4.000000e-01 : f32
    %gt3A_336 = vector.broadcast %gt3A_335 : f32 to vector<1x1024xf32>
    %gt3A_337 = arith.cmpf ogt, %get3A_4, %gt3A_336 : vector<1x1024xf32>
    %iota3A_338 = tpu.iota {dimensions = array<i32: 1>} : vector<1x256xi32>
    %slice3A_339 = vector.extract_strided_slice %gt3A_337 {offsets = [0, 0], sizes = [1, 256], strides = [1, 1]} : vector<1x1024xi1> to vector<1x256xi1>
    %broadcast_in_dim3A = arith.constant 0.000000e+00 : f32
    %broadcast_in_dim3A_340 = vector.broadcast %broadcast_in_dim3A : f32 to vector<1x256xf32>
    %scan3A = arith.constant 0 : i32
    %scan3A_341 = arith.constant 256 : i32
    %scan3A_342 = arith.addi %scan3A, %scan3A_341 : i32
    %scan3A_343 = arith.constant 1 : i32
    %scan3A_344 = scf.for %scan3A_486 = %scan3A to %scan3A_342 step %scan3A_343 iter_args(%scan3A_487 = %broadcast_in_dim3A_340) -> (vector<1x256xf32>)  : i32 {
      %add3A_488 = arith.constant 0 : i32
      %add3A_489 = arith.addi %add3A_488, %scan3A_486 : i32
      %get3A_490 = arith.index_cast %add3A_489 : i32 to index
      %get3A_491 = arith.constant 0 : index
      %get3A_492 = vector.load %arg6[%get3A_490, %get3A_491] : memref<1024x1024xf32, #tpu.memory_space<vmem>>, vector<1x256xf32>
      %mul3A_493 = arith.mulf %get3A_492, %scan3A_487 : vector<1x256xf32>
      %reduce_sum3A = vector.shape_cast %mul3A_493 : vector<1x256xf32> to vector<1x1x256xf32>
      %reduce_sum3A_494 = arith.constant dense<0.000000e+00> : vector<1xf32>
      %reduce_sum3A_495 = vector.multi_reduction <add>, %reduce_sum3A, %reduce_sum3A_494 [1, 2] : vector<1x1x256xf32> to vector<1xf32>
      %reduce_sum3A_496 = vector.shape_cast %reduce_sum3A_495 : vector<1xf32> to vector<1x1x1xf32>
      %reduce_sum3A_497 = vector.extract %reduce_sum3A_496[0, 0, 0] : f32 from vector<1x1x1xf32>
      %eq3A_498 = vector.broadcast %scan3A_486 : i32 to vector<1x256xi32>
      %eq3A_499 = arith.cmpi eq, %iota3A_338, %eq3A_498 : vector<1x256xi32>
      %and3A_500 = arith.andi %eq3A_499, %slice3A_339 : vector<1x256xi1>
      %le3A_501 = arith.constant 0.000000e+00 : f32
      %le3A_502 = arith.cmpf ole, %reduce_sum3A_497, %le3A_501 : f32
      %and3A_503 = vector.broadcast %le3A_502 : i1 to vector<1x256xi1>
      %and3A_504 = arith.andi %and3A_500, %and3A_503 : vector<1x256xi1>
      %jit3A_505 = arith.constant 1.000000e+00 : f32
      %broadcast_in_dim3A_506 = vector.broadcast %jit3A_505 : f32 to vector<1x256xf32>
      %select_n3A = arith.select %and3A_504, %broadcast_in_dim3A_506, %scan3A_487 : vector<1x256xi1>, vector<1x256xf32>
      scf.yield %select_n3A : vector<1x256xf32>
    }
    %scan3A_345 = arith.constant 256 : i32
    %slice3A_346 = vector.extract_strided_slice %gt3A_337 {offsets = [0, 256], sizes = [1, 256], strides = [1, 1]} : vector<1x1024xi1> to vector<1x256xi1>
    %get3A_347 = arith.constant 256 : index
    %get3A_348 = arith.constant 0 : index
    %get3A_349 = vector.load %arg6[%get3A_347, %get3A_348] : memref<1024x1024xf32, #tpu.memory_space<vmem>>, vector<256x256xf32>
    %dot_general3A_350 = arith.constant dense<0.000000e+00> : vector<256x1xf32>
    %dot_general3A_351 = tpu.matmul %get3A_349, %scan3A_344, %dot_general3A_350 {dimension_numbers = #tpu.dot_dimension_numbers<[1], [1], [0], [0], [0, 0, 1, 0], [], []>, transpose_lhs_hint = false} : vector<256x256xf32>, vector<1x256xf32>, vector<256x1xf32> -> vector<256x1xf32>
    %dot_general3A_352 = arith.constant dense<0.000000e+00> : vector<1x256xf32>
    %dot_general3A_353 = tpu.matmul %dot_general3A_351, %convert_element_type3A_129, %dot_general3A_352 {dimension_numbers = #tpu.dot_dimension_numbers<[0], [0], [1], [1], [0, 1, 1, 1], [], []>, transpose_lhs_hint = false} : vector<256x1xf32>, vector<256x256xf32>, vector<1x256xf32> -> vector<1x256xf32>
    %le3A = arith.constant 0.000000e+00 : f32
    %le3A_354 = vector.broadcast %le3A : f32 to vector<1x256xf32>
    %le3A_355 = arith.cmpf ole, %dot_general3A_353, %le3A_354 : vector<1x256xf32>
    %and3A_356 = arith.andi %slice3A_346, %le3A_355 : vector<1x256xi1>
    %broadcast_in_dim3A_357 = arith.constant 0.000000e+00 : f32
    %broadcast_in_dim3A_358 = vector.broadcast %broadcast_in_dim3A_357 : f32 to vector<1x256xf32>
    %scan3A_359 = arith.constant 0 : i32
    %scan3A_360 = arith.constant 256 : i32
    %scan3A_361 = arith.addi %scan3A_359, %scan3A_360 : i32
    %scan3A_362 = arith.constant 1 : i32
    %scan3A_363 = scf.for %scan3A_486 = %scan3A_359 to %scan3A_361 step %scan3A_362 iter_args(%scan3A_487 = %broadcast_in_dim3A_358) -> (vector<1x256xf32>)  : i32 {
      %add3A_488 = arith.constant 256 : i32
      %add3A_489 = arith.addi %add3A_488, %scan3A_486 : i32
      %get3A_490 = arith.index_cast %add3A_489 : i32 to index
      %get3A_491 = arith.constant 256 : index
      %get3A_492 = vector.load %arg6[%get3A_490, %get3A_491] : memref<1024x1024xf32, #tpu.memory_space<vmem>>, vector<1x256xf32>
      %mul3A_493 = arith.mulf %get3A_492, %scan3A_487 : vector<1x256xf32>
      %reduce_sum3A = vector.shape_cast %mul3A_493 : vector<1x256xf32> to vector<1x1x256xf32>
      %reduce_sum3A_494 = arith.constant dense<0.000000e+00> : vector<1xf32>
      %reduce_sum3A_495 = vector.multi_reduction <add>, %reduce_sum3A, %reduce_sum3A_494 [1, 2] : vector<1x1x256xf32> to vector<1xf32>
      %reduce_sum3A_496 = vector.shape_cast %reduce_sum3A_495 : vector<1xf32> to vector<1x1x1xf32>
      %reduce_sum3A_497 = vector.extract %reduce_sum3A_496[0, 0, 0] : f32 from vector<1x1x1xf32>
      %eq3A_498 = vector.broadcast %scan3A_486 : i32 to vector<1x256xi32>
      %eq3A_499 = arith.cmpi eq, %iota3A_338, %eq3A_498 : vector<1x256xi32>
      %and3A_500 = arith.andi %eq3A_499, %and3A_356 : vector<1x256xi1>
      %le3A_501 = arith.constant 0.000000e+00 : f32
      %le3A_502 = arith.cmpf ole, %reduce_sum3A_497, %le3A_501 : f32
      %and3A_503 = vector.broadcast %le3A_502 : i1 to vector<1x256xi1>
      %and3A_504 = arith.andi %and3A_500, %and3A_503 : vector<1x256xi1>
      %jit3A_505 = arith.constant 1.000000e+00 : f32
      %broadcast_in_dim3A_506 = vector.broadcast %jit3A_505 : f32 to vector<1x256xf32>
      %select_n3A = arith.select %and3A_504, %broadcast_in_dim3A_506, %scan3A_487 : vector<1x256xi1>, vector<1x256xf32>
      scf.yield %select_n3A : vector<1x256xf32>
    }
    %scan3A_364 = arith.constant 256 : i32
    %slice3A_365 = vector.extract_strided_slice %gt3A_337 {offsets = [0, 512], sizes = [1, 256], strides = [1, 1]} : vector<1x1024xi1> to vector<1x256xi1>
    %concatenate3A = tpu.concatenate %scan3A_344, %scan3A_363 in 1 : vector<1x256xf32>, vector<1x256xf32> -> vector<1x512xf32>
    %get3A_366 = arith.constant 512 : index
    %get3A_367 = arith.constant 0 : index
    %get3A_368 = vector.load %arg6[%get3A_366, %get3A_367] : memref<1024x1024xf32, #tpu.memory_space<vmem>>, vector<256x512xf32>
    %dot_general3A_369 = arith.constant dense<0.000000e+00> : vector<256x1xf32>
    %dot_general3A_370 = tpu.matmul %get3A_368, %concatenate3A, %dot_general3A_369 {dimension_numbers = #tpu.dot_dimension_numbers<[1], [1], [0], [0], [0, 0, 1, 0], [], []>, transpose_lhs_hint = false} : vector<256x512xf32>, vector<1x512xf32>, vector<256x1xf32> -> vector<256x1xf32>
    %dot_general3A_371 = arith.constant dense<0.000000e+00> : vector<1x256xf32>
    %dot_general3A_372 = tpu.matmul %dot_general3A_370, %convert_element_type3A_129, %dot_general3A_371 {dimension_numbers = #tpu.dot_dimension_numbers<[0], [0], [1], [1], [0, 1, 1, 1], [], []>, transpose_lhs_hint = false} : vector<256x1xf32>, vector<256x256xf32>, vector<1x256xf32> -> vector<1x256xf32>
    %le3A_373 = arith.constant 0.000000e+00 : f32
    %le3A_374 = vector.broadcast %le3A_373 : f32 to vector<1x256xf32>
    %le3A_375 = arith.cmpf ole, %dot_general3A_372, %le3A_374 : vector<1x256xf32>
    %and3A_376 = arith.andi %slice3A_365, %le3A_375 : vector<1x256xi1>
    %broadcast_in_dim3A_377 = arith.constant 0.000000e+00 : f32
    %broadcast_in_dim3A_378 = vector.broadcast %broadcast_in_dim3A_377 : f32 to vector<1x256xf32>
    %scan3A_379 = arith.constant 0 : i32
    %scan3A_380 = arith.constant 256 : i32
    %scan3A_381 = arith.addi %scan3A_379, %scan3A_380 : i32
    %scan3A_382 = arith.constant 1 : i32
    %scan3A_383 = scf.for %scan3A_486 = %scan3A_379 to %scan3A_381 step %scan3A_382 iter_args(%scan3A_487 = %broadcast_in_dim3A_378) -> (vector<1x256xf32>)  : i32 {
      %add3A_488 = arith.constant 512 : i32
      %add3A_489 = arith.addi %add3A_488, %scan3A_486 : i32
      %get3A_490 = arith.index_cast %add3A_489 : i32 to index
      %get3A_491 = arith.constant 512 : index
      %get3A_492 = vector.load %arg6[%get3A_490, %get3A_491] : memref<1024x1024xf32, #tpu.memory_space<vmem>>, vector<1x256xf32>
      %mul3A_493 = arith.mulf %get3A_492, %scan3A_487 : vector<1x256xf32>
      %reduce_sum3A = vector.shape_cast %mul3A_493 : vector<1x256xf32> to vector<1x1x256xf32>
      %reduce_sum3A_494 = arith.constant dense<0.000000e+00> : vector<1xf32>
      %reduce_sum3A_495 = vector.multi_reduction <add>, %reduce_sum3A, %reduce_sum3A_494 [1, 2] : vector<1x1x256xf32> to vector<1xf32>
      %reduce_sum3A_496 = vector.shape_cast %reduce_sum3A_495 : vector<1xf32> to vector<1x1x1xf32>
      %reduce_sum3A_497 = vector.extract %reduce_sum3A_496[0, 0, 0] : f32 from vector<1x1x1xf32>
      %eq3A_498 = vector.broadcast %scan3A_486 : i32 to vector<1x256xi32>
      %eq3A_499 = arith.cmpi eq, %iota3A_338, %eq3A_498 : vector<1x256xi32>
      %and3A_500 = arith.andi %eq3A_499, %and3A_376 : vector<1x256xi1>
      %le3A_501 = arith.constant 0.000000e+00 : f32
      %le3A_502 = arith.cmpf ole, %reduce_sum3A_497, %le3A_501 : f32
      %and3A_503 = vector.broadcast %le3A_502 : i1 to vector<1x256xi1>
      %and3A_504 = arith.andi %and3A_500, %and3A_503 : vector<1x256xi1>
      %jit3A_505 = arith.constant 1.000000e+00 : f32
      %broadcast_in_dim3A_506 = vector.broadcast %jit3A_505 : f32 to vector<1x256xf32>
      %select_n3A = arith.select %and3A_504, %broadcast_in_dim3A_506, %scan3A_487 : vector<1x256xi1>, vector<1x256xf32>
      scf.yield %select_n3A : vector<1x256xf32>
    }
    %scan3A_384 = arith.constant 256 : i32
    %slice3A_385 = vector.extract_strided_slice %gt3A_337 {offsets = [0, 768], sizes = [1, 256], strides = [1, 1]} : vector<1x1024xi1> to vector<1x256xi1>
    %concatenate3A_386 = tpu.concatenate %scan3A_344, %scan3A_363, %scan3A_383 in 1 : vector<1x256xf32>, vector<1x256xf32>, vector<1x256xf32> -> vector<1x768xf32>
    %get3A_387 = arith.constant 768 : index
    %get3A_388 = arith.constant 0 : index
    %get3A_389 = vector.load %arg6[%get3A_387, %get3A_388] : memref<1024x1024xf32, #tpu.memory_space<vmem>>, vector<256x768xf32>
    %dot_general3A_390 = arith.constant dense<0.000000e+00> : vector<256x1xf32>
    %dot_general3A_391 = tpu.matmul %get3A_389, %concatenate3A_386, %dot_general3A_390 {dimension_numbers = #tpu.dot_dimension_numbers<[1], [1], [0], [0], [0, 0, 1, 0], [], []>, transpose_lhs_hint = false} : vector<256x768xf32>, vector<1x768xf32>, vector<256x1xf32> -> vector<256x1xf32>
    %dot_general3A_392 = arith.constant dense<0.000000e+00> : vector<1x256xf32>
    %dot_general3A_393 = tpu.matmul %dot_general3A_391, %convert_element_type3A_129, %dot_general3A_392 {dimension_numbers = #tpu.dot_dimension_numbers<[0], [0], [1], [1], [0, 1, 1, 1], [], []>, transpose_lhs_hint = false} : vector<256x1xf32>, vector<256x256xf32>, vector<1x256xf32> -> vector<1x256xf32>
    %le3A_394 = arith.constant 0.000000e+00 : f32
    %le3A_395 = vector.broadcast %le3A_394 : f32 to vector<1x256xf32>
    %le3A_396 = arith.cmpf ole, %dot_general3A_393, %le3A_395 : vector<1x256xf32>
    %and3A_397 = arith.andi %slice3A_385, %le3A_396 : vector<1x256xi1>
    %broadcast_in_dim3A_398 = arith.constant 0.000000e+00 : f32
    %broadcast_in_dim3A_399 = vector.broadcast %broadcast_in_dim3A_398 : f32 to vector<1x256xf32>
    %scan3A_400 = arith.constant 0 : i32
    %scan3A_401 = arith.constant 256 : i32
    %scan3A_402 = arith.addi %scan3A_400, %scan3A_401 : i32
    %scan3A_403 = arith.constant 1 : i32
    %scan3A_404 = scf.for %scan3A_486 = %scan3A_400 to %scan3A_402 step %scan3A_403 iter_args(%scan3A_487 = %broadcast_in_dim3A_399) -> (vector<1x256xf32>)  : i32 {
      %add3A_488 = arith.constant 768 : i32
      %add3A_489 = arith.addi %add3A_488, %scan3A_486 : i32
      %get3A_490 = arith.index_cast %add3A_489 : i32 to index
      %get3A_491 = arith.constant 768 : index
      %get3A_492 = vector.load %arg6[%get3A_490, %get3A_491] : memref<1024x1024xf32, #tpu.memory_space<vmem>>, vector<1x256xf32>
      %mul3A_493 = arith.mulf %get3A_492, %scan3A_487 : vector<1x256xf32>
      %reduce_sum3A = vector.shape_cast %mul3A_493 : vector<1x256xf32> to vector<1x1x256xf32>
      %reduce_sum3A_494 = arith.constant dense<0.000000e+00> : vector<1xf32>
      %reduce_sum3A_495 = vector.multi_reduction <add>, %reduce_sum3A, %reduce_sum3A_494 [1, 2] : vector<1x1x256xf32> to vector<1xf32>
      %reduce_sum3A_496 = vector.shape_cast %reduce_sum3A_495 : vector<1xf32> to vector<1x1x1xf32>
      %reduce_sum3A_497 = vector.extract %reduce_sum3A_496[0, 0, 0] : f32 from vector<1x1x1xf32>
      %eq3A_498 = vector.broadcast %scan3A_486 : i32 to vector<1x256xi32>
      %eq3A_499 = arith.cmpi eq, %iota3A_338, %eq3A_498 : vector<1x256xi32>
      %and3A_500 = arith.andi %eq3A_499, %and3A_397 : vector<1x256xi1>
      %le3A_501 = arith.constant 0.000000e+00 : f32
      %le3A_502 = arith.cmpf ole, %reduce_sum3A_497, %le3A_501 : f32
      %and3A_503 = vector.broadcast %le3A_502 : i1 to vector<1x256xi1>
      %and3A_504 = arith.andi %and3A_500, %and3A_503 : vector<1x256xi1>
      %jit3A_505 = arith.constant 1.000000e+00 : f32
      %broadcast_in_dim3A_506 = vector.broadcast %jit3A_505 : f32 to vector<1x256xf32>
      %select_n3A = arith.select %and3A_504, %broadcast_in_dim3A_506, %scan3A_487 : vector<1x256xi1>, vector<1x256xf32>
      scf.yield %select_n3A : vector<1x256xf32>
    }
    %scan3A_405 = arith.constant 256 : i32
    %concatenate3A_406 = tpu.concatenate %scan3A_344, %scan3A_363, %scan3A_383, %scan3A_404 in 1 : vector<1x256xf32>, vector<1x256xf32>, vector<1x256xf32>, vector<1x256xf32> -> vector<1x1024xf32>
    %round3A = math.roundeven %add3A_66 : vector<1x1024xf32>
    %sub3A_407 = arith.constant 1.000000e+00 : f32
    %sub3A_408 = vector.broadcast %sub3A_407 : f32 to vector<1x1xf32>
    %sub3A_409 = arith.subf %get3A_21, %sub3A_408 : vector<1x1xf32>
    %jit3A_410 = arith.constant 0.000000e+00 : f32
    %max3A_411 = vector.broadcast %jit3A_410 : f32 to vector<1x1024xf32>
    %max3A_412 = arith.maximumf %max3A_411, %round3A : vector<1x1024xf32>
    %min3A_413 = vector.broadcast %sub3A_409 : vector<1x1xf32> to vector<1x1024xf32>
    %min3A_414 = arith.minimumf %min3A_413, %max3A_412 : vector<1x1024xf32>
    %round3A_415 = math.roundeven %add3A_72 : vector<1x1024xf32>
    %sub3A_416 = arith.constant 1.000000e+00 : f32
    %sub3A_417 = vector.broadcast %sub3A_416 : f32 to vector<1x1xf32>
    %sub3A_418 = arith.subf %get3A_24, %sub3A_417 : vector<1x1xf32>
    %jit3A_419 = arith.constant 0.000000e+00 : f32
    %max3A_420 = vector.broadcast %jit3A_419 : f32 to vector<1x1024xf32>
    %max3A_421 = arith.maximumf %max3A_420, %round3A_415 : vector<1x1024xf32>
    %min3A_422 = vector.broadcast %sub3A_418 : vector<1x1xf32> to vector<1x1024xf32>
    %min3A_423 = arith.minimumf %min3A_422, %max3A_421 : vector<1x1024xf32>
    %round3A_424 = math.roundeven %add3A_78 : vector<1x1024xf32>
    %sub3A_425 = arith.constant 1.000000e+00 : f32
    %sub3A_426 = vector.broadcast %sub3A_425 : f32 to vector<1x1xf32>
    %sub3A_427 = arith.subf %get3A_21, %sub3A_426 : vector<1x1xf32>
    %jit3A_428 = arith.constant 0.000000e+00 : f32
    %max3A_429 = vector.broadcast %jit3A_428 : f32 to vector<1x1024xf32>
    %max3A_430 = arith.maximumf %max3A_429, %round3A_424 : vector<1x1024xf32>
    %min3A_431 = vector.broadcast %sub3A_427 : vector<1x1xf32> to vector<1x1024xf32>
    %min3A_432 = arith.minimumf %min3A_431, %max3A_430 : vector<1x1024xf32>
    %round3A_433 = math.roundeven %add3A_84 : vector<1x1024xf32>
    %sub3A_434 = arith.constant 1.000000e+00 : f32
    %sub3A_435 = vector.broadcast %sub3A_434 : f32 to vector<1x1xf32>
    %sub3A_436 = arith.subf %get3A_24, %sub3A_435 : vector<1x1xf32>
    %jit3A_437 = arith.constant 0.000000e+00 : f32
    %max3A_438 = vector.broadcast %jit3A_437 : f32 to vector<1x1024xf32>
    %max3A_439 = arith.maximumf %max3A_438, %round3A_433 : vector<1x1024xf32>
    %min3A_440 = vector.broadcast %sub3A_436 : vector<1x1xf32> to vector<1x1024xf32>
    %min3A_441 = arith.minimumf %min3A_440, %max3A_439 : vector<1x1024xf32>
    %round3A_442 = math.roundeven %add3A_90 : vector<1x1024xf32>
    %sub3A_443 = arith.constant 1.000000e+00 : f32
    %sub3A_444 = vector.broadcast %sub3A_443 : f32 to vector<1x1xf32>
    %sub3A_445 = arith.subf %get3A_21, %sub3A_444 : vector<1x1xf32>
    %jit3A_446 = arith.constant 0.000000e+00 : f32
    %max3A_447 = vector.broadcast %jit3A_446 : f32 to vector<1x1024xf32>
    %max3A_448 = arith.maximumf %max3A_447, %round3A_442 : vector<1x1024xf32>
    %min3A_449 = vector.broadcast %sub3A_445 : vector<1x1xf32> to vector<1x1024xf32>
    %min3A_450 = arith.minimumf %min3A_449, %max3A_448 : vector<1x1024xf32>
    %round3A_451 = math.roundeven %add3A_96 : vector<1x1024xf32>
    %sub3A_452 = arith.constant 1.000000e+00 : f32
    %sub3A_453 = vector.broadcast %sub3A_452 : f32 to vector<1x1xf32>
    %sub3A_454 = arith.subf %get3A_24, %sub3A_453 : vector<1x1xf32>
    %jit3A_455 = arith.constant 0.000000e+00 : f32
    %max3A_456 = vector.broadcast %jit3A_455 : f32 to vector<1x1024xf32>
    %max3A_457 = arith.maximumf %max3A_456, %round3A_451 : vector<1x1024xf32>
    %min3A_458 = vector.broadcast %sub3A_454 : vector<1x1xf32> to vector<1x1024xf32>
    %min3A_459 = arith.minimumf %min3A_458, %max3A_457 : vector<1x1024xf32>
    %round3A_460 = math.roundeven %add3A_102 : vector<1x1024xf32>
    %sub3A_461 = arith.constant 1.000000e+00 : f32
    %sub3A_462 = vector.broadcast %sub3A_461 : f32 to vector<1x1xf32>
    %sub3A_463 = arith.subf %get3A_21, %sub3A_462 : vector<1x1xf32>
    %jit3A_464 = arith.constant 0.000000e+00 : f32
    %max3A_465 = vector.broadcast %jit3A_464 : f32 to vector<1x1024xf32>
    %max3A_466 = arith.maximumf %max3A_465, %round3A_460 : vector<1x1024xf32>
    %min3A_467 = vector.broadcast %sub3A_463 : vector<1x1xf32> to vector<1x1024xf32>
    %min3A_468 = arith.minimumf %min3A_467, %max3A_466 : vector<1x1024xf32>
    %round3A_469 = math.roundeven %add3A_108 : vector<1x1024xf32>
    %sub3A_470 = arith.constant 1.000000e+00 : f32
    %sub3A_471 = vector.broadcast %sub3A_470 : f32 to vector<1x1xf32>
    %sub3A_472 = arith.subf %get3A_24, %sub3A_471 : vector<1x1xf32>
    %jit3A_473 = arith.constant 0.000000e+00 : f32
    %max3A_474 = vector.broadcast %jit3A_473 : f32 to vector<1x1024xf32>
    %max3A_475 = arith.maximumf %max3A_474, %round3A_469 : vector<1x1024xf32>
    %min3A_476 = vector.broadcast %sub3A_472 : vector<1x1xf32> to vector<1x1024xf32>
    %min3A_477 = arith.minimumf %min3A_476, %max3A_475 : vector<1x1024xf32>
    %broadcast_in_dim3A_478 = arith.constant 0.000000e+00 : f32
    %broadcast_in_dim3A_479 = vector.broadcast %broadcast_in_dim3A_478 : f32 to vector<7x1024xf32>
    %concatenate3A_480 = tpu.concatenate %min3A_414, %min3A_423, %min3A_432, %min3A_441, %min3A_450, %min3A_459, %min3A_468, %min3A_477, %get3A_4, %broadcast_in_dim3A_479 in 0 : vector<1x1024xf32>, vector<1x1024xf32>, vector<1x1024xf32>, vector<1x1024xf32>, vector<1x1024xf32>, vector<1x1024xf32>, vector<1x1024xf32>, vector<1x1024xf32>, vector<1x1024xf32>, vector<7x1024xf32> -> vector<16x1024xf32>
    %mul3A_481 = vector.broadcast %concatenate3A_406 : vector<1x1024xf32> to vector<16x1024xf32>
    %mul3A_482 = arith.mulf %concatenate3A_480, %mul3A_481 : vector<16x1024xf32>
    %swap3A_483 = arith.constant 0 : index
    %swap3A_484 = arith.constant 0 : index
    %swap3A_485 = vector.load %arg4[%swap3A_483, %swap3A_484] : memref<16x1024xf32, #tpu.memory_space<vmem>>, vector<16x1024xf32>
    tpu.vector_store %arg4[%swap3A_483, %swap3A_484], %mul3A_482 {strides = array<i32>} : memref<16x1024xf32, #tpu.memory_space<vmem>>, vector<16x1024xf32>,
    return
  }
}

module attributes {stable_mosaic.version = 14 : i64} {
  func.func @_nms_kernel(%arg0: memref<128x2048xf32, #tpu.memory_space<vmem>>, %arg1: memref<1x2048xi32, #tpu.memory_space<vmem>>, %arg2: memref<1x2048xf32, #tpu.memory_space<vmem>>, %arg3: memref<1x128xf32, #tpu.memory_space<vmem>>, %arg4: memref<16x2048xf32, #tpu.memory_space<vmem>>, %arg5: memref<72x2048xf32, #tpu.memory_space<vmem>>, %arg6: memref<2048x2048xf32, #tpu.memory_space<vmem>>) attributes {dimension_semantics = [], scalar_prefetch = 0 : i64, scratch_operands = 1 : i64, tpu.core_type = #tpu.core_type<tc>} {
    %get3A = arith.constant 0 : index
    %get3A_0 = arith.constant 0 : index
    %get3A_1 = vector.load %arg1[%get3A, %get3A_0] : memref<1x2048xi32, #tpu.memory_space<vmem>>, vector<1x2048xi32>
    %get3A_2 = arith.constant 0 : index
    %get3A_3 = arith.constant 0 : index
    %get3A_4 = vector.load %arg2[%get3A_2, %get3A_3] : memref<1x2048xf32, #tpu.memory_space<vmem>>, vector<1x2048xf32>
    %get3A_5 = arith.constant 0 : index
    %get3A_6 = arith.constant 0 : index
    %get3A_7 = vector.load %arg0[%get3A_5, %get3A_6] : memref<128x2048xf32, #tpu.memory_space<vmem>>, vector<128x2048xf32>
    %slice3A = vector.extract_strided_slice %get3A_7 {offsets = [0, 0], sizes = [1, 2048], strides = [1, 1]} : vector<128x2048xf32> to vector<1x2048xf32>
    %slice3A_8 = vector.extract_strided_slice %get3A_7 {offsets = [1, 0], sizes = [1, 2048], strides = [1, 1]} : vector<128x2048xf32> to vector<1x2048xf32>
    %slice3A_9 = vector.extract_strided_slice %get3A_7 {offsets = [2, 0], sizes = [1, 2048], strides = [1, 1]} : vector<128x2048xf32> to vector<1x2048xf32>
    %slice3A_10 = vector.extract_strided_slice %get3A_7 {offsets = [3, 0], sizes = [1, 2048], strides = [1, 1]} : vector<128x2048xf32> to vector<1x2048xf32>
    %broadcast_in_dim3A = arith.constant 1.000000e+00 : f32
    %broadcast_in_dim3A_11 = vector.broadcast %broadcast_in_dim3A : f32 to vector<1x2048xf32>
    %broadcast_in_dim3A_12 = arith.constant 0.000000e+00 : f32
    %broadcast_in_dim3A_13 = vector.broadcast %broadcast_in_dim3A_12 : f32 to vector<1x2048xf32>
    %get3A_14 = arith.constant 0 : index
    %get3A_15 = arith.constant 0 : index
    %get3A_16 = vector.load %arg3[%get3A_14, %get3A_15] : memref<1x128xf32, #tpu.memory_space<vmem>>, vector<1x1xf32>
    %get3A_17 = arith.constant 0 : index
    %get3A_18 = arith.constant 1 : index
    %get3A_19 = vector.load %arg3[%get3A_17, %get3A_18] : memref<1x128xf32, #tpu.memory_space<vmem>>, vector<1x1xf32>
    %get3A_20 = arith.constant 0 : index
    %get3A_21 = arith.constant 2 : index
    %get3A_22 = vector.load %arg3[%get3A_20, %get3A_21] : memref<1x128xf32, #tpu.memory_space<vmem>>, vector<1x1xf32>
    %get3A_23 = arith.constant 0 : index
    %get3A_24 = arith.constant 3 : index
    %get3A_25 = vector.load %arg3[%get3A_23, %get3A_24] : memref<1x128xf32, #tpu.memory_space<vmem>>, vector<1x1xf32>
    %and3A = arith.constant 127 : i32
    %and3A_26 = vector.broadcast %and3A : i32 to vector<1x2048xi32>
    %and3A_27 = arith.andi %get3A_1, %and3A_26 : vector<1x2048xi32>
    %convert_element_type3A = arith.sitofp %and3A_27 : vector<1x2048xi32> to vector<1x2048xf32>
    %shift_right_arithmetic3A = arith.constant 7 : i32
    %shift_right_arithmetic3A_28 = vector.broadcast %shift_right_arithmetic3A : i32 to vector<1x2048xi32>
    %shift_right_arithmetic3A_29 = arith.shrsi %get3A_1, %shift_right_arithmetic3A_28 : vector<1x2048xi32>
    %convert_element_type3A_30 = arith.sitofp %shift_right_arithmetic3A_29 : vector<1x2048xi32> to vector<1x2048xf32>
    %mul3A = arith.constant 4.000000e+00 : f32
    %mul3A_31 = vector.broadcast %mul3A : f32 to vector<1x1xf32>
    %mul3A_32 = arith.mulf %get3A_16, %mul3A_31 : vector<1x1xf32>
    %sub3A = arith.subf %convert_element_type3A, %slice3A_9 : vector<1x2048xf32>
    %mul3A_33 = vector.broadcast %mul3A_32 : vector<1x1xf32> to vector<1x2048xf32>
    %mul3A_34 = arith.mulf %mul3A_33, %sub3A : vector<1x2048xf32>
    %mul3A_35 = arith.constant 4.000000e+00 : f32
    %mul3A_36 = vector.broadcast %mul3A_35 : f32 to vector<1x1xf32>
    %mul3A_37 = arith.mulf %get3A_19, %mul3A_36 : vector<1x1xf32>
    %sub3A_38 = arith.subf %convert_element_type3A_30, %slice3A : vector<1x2048xf32>
    %mul3A_39 = vector.broadcast %mul3A_37 : vector<1x1xf32> to vector<1x2048xf32>
    %mul3A_40 = arith.mulf %mul3A_39, %sub3A_38 : vector<1x2048xf32>
    %mul3A_41 = arith.constant 4.000000e+00 : f32
    %mul3A_42 = vector.broadcast %mul3A_41 : f32 to vector<1x1xf32>
    %mul3A_43 = arith.mulf %get3A_16, %mul3A_42 : vector<1x1xf32>
    %add3A = arith.addf %convert_element_type3A, %slice3A_10 : vector<1x2048xf32>
    %mul3A_44 = vector.broadcast %mul3A_43 : vector<1x1xf32> to vector<1x2048xf32>
    %mul3A_45 = arith.mulf %mul3A_44, %add3A : vector<1x2048xf32>
    %mul3A_46 = arith.constant 4.000000e+00 : f32
    %mul3A_47 = vector.broadcast %mul3A_46 : f32 to vector<1x1xf32>
    %mul3A_48 = arith.mulf %get3A_19, %mul3A_47 : vector<1x1xf32>
    %add3A_49 = arith.addf %convert_element_type3A_30, %slice3A_8 : vector<1x2048xf32>
    %mul3A_50 = vector.broadcast %mul3A_48 : vector<1x1xf32> to vector<1x2048xf32>
    %mul3A_51 = arith.mulf %mul3A_50, %add3A_49 : vector<1x2048xf32>
    %mul3A_52 = arith.constant 4.000000e+00 : f32
    %mul3A_53 = vector.broadcast %mul3A_52 : f32 to vector<1x1xf32>
    %mul3A_54 = arith.mulf %get3A_16, %mul3A_53 : vector<1x1xf32>
    %mul3A_55 = vector.broadcast %mul3A_54 : vector<1x1xf32> to vector<1x2048xf32>
    %mul3A_56 = arith.mulf %mul3A_55, %convert_element_type3A : vector<1x2048xf32>
    %mul3A_57 = arith.constant 4.000000e+00 : f32
    %mul3A_58 = vector.broadcast %mul3A_57 : f32 to vector<1x1xf32>
    %mul3A_59 = arith.mulf %get3A_19, %mul3A_58 : vector<1x1xf32>
    %mul3A_60 = vector.broadcast %mul3A_59 : vector<1x1xf32> to vector<1x2048xf32>
    %mul3A_61 = arith.mulf %mul3A_60, %convert_element_type3A_30 : vector<1x2048xf32>
    %sub3A_62 = arith.subf %mul3A_34, %mul3A_56 : vector<1x2048xf32>
    %mul3A_63 = arith.mulf %sub3A_62, %broadcast_in_dim3A_11 : vector<1x2048xf32>
    %sub3A_64 = arith.subf %mul3A_40, %mul3A_61 : vector<1x2048xf32>
    %mul3A_65 = arith.mulf %sub3A_64, %broadcast_in_dim3A_13 : vector<1x2048xf32>
    %sub3A_66 = arith.subf %mul3A_63, %mul3A_65 : vector<1x2048xf32>
    %add3A_67 = arith.addf %sub3A_66, %mul3A_56 : vector<1x2048xf32>
    %sub3A_68 = arith.subf %mul3A_34, %mul3A_56 : vector<1x2048xf32>
    %mul3A_69 = arith.mulf %sub3A_68, %broadcast_in_dim3A_13 : vector<1x2048xf32>
    %sub3A_70 = arith.subf %mul3A_40, %mul3A_61 : vector<1x2048xf32>
    %mul3A_71 = arith.mulf %sub3A_70, %broadcast_in_dim3A_11 : vector<1x2048xf32>
    %add3A_72 = arith.addf %mul3A_69, %mul3A_71 : vector<1x2048xf32>
    %add3A_73 = arith.addf %add3A_72, %mul3A_61 : vector<1x2048xf32>
    %sub3A_74 = arith.subf %mul3A_45, %mul3A_56 : vector<1x2048xf32>
    %mul3A_75 = arith.mulf %sub3A_74, %broadcast_in_dim3A_11 : vector<1x2048xf32>
    %sub3A_76 = arith.subf %mul3A_40, %mul3A_61 : vector<1x2048xf32>
    %mul3A_77 = arith.mulf %sub3A_76, %broadcast_in_dim3A_13 : vector<1x2048xf32>
    %sub3A_78 = arith.subf %mul3A_75, %mul3A_77 : vector<1x2048xf32>
    %add3A_79 = arith.addf %sub3A_78, %mul3A_56 : vector<1x2048xf32>
    %sub3A_80 = arith.subf %mul3A_45, %mul3A_56 : vector<1x2048xf32>
    %mul3A_81 = arith.mulf %sub3A_80, %broadcast_in_dim3A_13 : vector<1x2048xf32>
    %sub3A_82 = arith.subf %mul3A_40, %mul3A_61 : vector<1x2048xf32>
    %mul3A_83 = arith.mulf %sub3A_82, %broadcast_in_dim3A_11 : vector<1x2048xf32>
    %add3A_84 = arith.addf %mul3A_81, %mul3A_83 : vector<1x2048xf32>
    %add3A_85 = arith.addf %add3A_84, %mul3A_61 : vector<1x2048xf32>
    %sub3A_86 = arith.subf %mul3A_45, %mul3A_56 : vector<1x2048xf32>
    %mul3A_87 = arith.mulf %sub3A_86, %broadcast_in_dim3A_11 : vector<1x2048xf32>
    %sub3A_88 = arith.subf %mul3A_51, %mul3A_61 : vector<1x2048xf32>
    %mul3A_89 = arith.mulf %sub3A_88, %broadcast_in_dim3A_13 : vector<1x2048xf32>
    %sub3A_90 = arith.subf %mul3A_87, %mul3A_89 : vector<1x2048xf32>
    %add3A_91 = arith.addf %sub3A_90, %mul3A_56 : vector<1x2048xf32>
    %sub3A_92 = arith.subf %mul3A_45, %mul3A_56 : vector<1x2048xf32>
    %mul3A_93 = arith.mulf %sub3A_92, %broadcast_in_dim3A_13 : vector<1x2048xf32>
    %sub3A_94 = arith.subf %mul3A_51, %mul3A_61 : vector<1x2048xf32>
    %mul3A_95 = arith.mulf %sub3A_94, %broadcast_in_dim3A_11 : vector<1x2048xf32>
    %add3A_96 = arith.addf %mul3A_93, %mul3A_95 : vector<1x2048xf32>
    %add3A_97 = arith.addf %add3A_96, %mul3A_61 : vector<1x2048xf32>
    %sub3A_98 = arith.subf %mul3A_34, %mul3A_56 : vector<1x2048xf32>
    %mul3A_99 = arith.mulf %sub3A_98, %broadcast_in_dim3A_11 : vector<1x2048xf32>
    %sub3A_100 = arith.subf %mul3A_51, %mul3A_61 : vector<1x2048xf32>
    %mul3A_101 = arith.mulf %sub3A_100, %broadcast_in_dim3A_13 : vector<1x2048xf32>
    %sub3A_102 = arith.subf %mul3A_99, %mul3A_101 : vector<1x2048xf32>
    %add3A_103 = arith.addf %sub3A_102, %mul3A_56 : vector<1x2048xf32>
    %sub3A_104 = arith.subf %mul3A_34, %mul3A_56 : vector<1x2048xf32>
    %mul3A_105 = arith.mulf %sub3A_104, %broadcast_in_dim3A_13 : vector<1x2048xf32>
    %sub3A_106 = arith.subf %mul3A_51, %mul3A_61 : vector<1x2048xf32>
    %mul3A_107 = arith.mulf %sub3A_106, %broadcast_in_dim3A_11 : vector<1x2048xf32>
    %add3A_108 = arith.addf %mul3A_105, %mul3A_107 : vector<1x2048xf32>
    %add3A_109 = arith.addf %add3A_108, %mul3A_61 : vector<1x2048xf32>
    %min3A = arith.minimumf %add3A_67, %add3A_79 : vector<1x2048xf32>
    %min3A_110 = arith.minimumf %add3A_91, %add3A_103 : vector<1x2048xf32>
    %min3A_111 = arith.minimumf %min3A, %min3A_110 : vector<1x2048xf32>
    %max3A = arith.maximumf %add3A_67, %add3A_79 : vector<1x2048xf32>
    %max3A_112 = arith.maximumf %add3A_91, %add3A_103 : vector<1x2048xf32>
    %max3A_113 = arith.maximumf %max3A, %max3A_112 : vector<1x2048xf32>
    %min3A_114 = arith.minimumf %add3A_73, %add3A_85 : vector<1x2048xf32>
    %min3A_115 = arith.minimumf %add3A_97, %add3A_109 : vector<1x2048xf32>
    %min3A_116 = arith.minimumf %min3A_114, %min3A_115 : vector<1x2048xf32>
    %max3A_117 = arith.maximumf %add3A_73, %add3A_85 : vector<1x2048xf32>
    %max3A_118 = arith.maximumf %add3A_97, %add3A_109 : vector<1x2048xf32>
    %max3A_119 = arith.maximumf %max3A_117, %max3A_118 : vector<1x2048xf32>
    %sub3A_120 = arith.subf %max3A_113, %min3A_111 : vector<1x2048xf32>
    %jit3A = arith.constant 0.000000e+00 : f32
    %max3A_121 = vector.broadcast %jit3A : f32 to vector<1x2048xf32>
    %max3A_122 = arith.maximumf %max3A_121, %sub3A_120 : vector<1x2048xf32>
    %sub3A_123 = arith.subf %max3A_119, %min3A_116 : vector<1x2048xf32>
    %jit3A_124 = arith.constant 0.000000e+00 : f32
    %max3A_125 = vector.broadcast %jit3A_124 : f32 to vector<1x2048xf32>
    %max3A_126 = arith.maximumf %max3A_125, %sub3A_123 : vector<1x2048xf32>
    %mul3A_127 = arith.mulf %max3A_122, %max3A_126 : vector<1x2048xf32>
    %iota3A = tpu.iota {dimensions = array<i32: 0>} : vector<256x256xi32>
    %iota3A_128 = tpu.iota {dimensions = array<i32: 1>} : vector<256x256xi32>
    %eq3A = arith.cmpi eq, %iota3A, %iota3A_128 : vector<256x256xi32>
    %convert_element_type3A_129 = arith.extui %eq3A : vector<256x256xi1> to vector<256x256xi32>
    %convert_element_type3A_130 = arith.sitofp %convert_element_type3A_129 : vector<256x256xi32> to vector<256x256xf32>
    %slice3A_131 = vector.extract_strided_slice %min3A_111 {offsets = [0, 0], sizes = [1, 256], strides = [1, 1]} : vector<1x2048xf32> to vector<1x256xf32>
    %dot_general3A = arith.constant dense<0.000000e+00> : vector<256x1xf32>
    %dot_general3A_132 = tpu.matmul %convert_element_type3A_130, %slice3A_131, %dot_general3A {dimension_numbers = #tpu.dot_dimension_numbers<[1], [1], [0], [0], [0, 0, 1, 0], [], []>, precision = #tpu.contract_precision<fp32>, transpose_lhs_hint = false} : vector<256x256xf32>, vector<1x256xf32>, vector<256x1xf32> -> vector<256x1xf32>
    %slice3A_133 = vector.extract_strided_slice %min3A_116 {offsets = [0, 0], sizes = [1, 256], strides = [1, 1]} : vector<1x2048xf32> to vector<1x256xf32>
    %dot_general3A_134 = arith.constant dense<0.000000e+00> : vector<256x1xf32>
    %dot_general3A_135 = tpu.matmul %convert_element_type3A_130, %slice3A_133, %dot_general3A_134 {dimension_numbers = #tpu.dot_dimension_numbers<[1], [1], [0], [0], [0, 0, 1, 0], [], []>, precision = #tpu.contract_precision<fp32>, transpose_lhs_hint = false} : vector<256x256xf32>, vector<1x256xf32>, vector<256x1xf32> -> vector<256x1xf32>
    %slice3A_136 = vector.extract_strided_slice %max3A_113 {offsets = [0, 0], sizes = [1, 256], strides = [1, 1]} : vector<1x2048xf32> to vector<1x256xf32>
    %dot_general3A_137 = arith.constant dense<0.000000e+00> : vector<256x1xf32>
    %dot_general3A_138 = tpu.matmul %convert_element_type3A_130, %slice3A_136, %dot_general3A_137 {dimension_numbers = #tpu.dot_dimension_numbers<[1], [1], [0], [0], [0, 0, 1, 0], [], []>, precision = #tpu.contract_precision<fp32>, transpose_lhs_hint = false} : vector<256x256xf32>, vector<1x256xf32>, vector<256x1xf32> -> vector<256x1xf32>
    %slice3A_139 = vector.extract_strided_slice %max3A_119 {offsets = [0, 0], sizes = [1, 256], strides = [1, 1]} : vector<1x2048xf32> to vector<1x256xf32>
    %dot_general3A_140 = arith.constant dense<0.000000e+00> : vector<256x1xf32>
    %dot_general3A_141 = tpu.matmul %convert_element_type3A_130, %slice3A_139, %dot_general3A_140 {dimension_numbers = #tpu.dot_dimension_numbers<[1], [1], [0], [0], [0, 0, 1, 0], [], []>, precision = #tpu.contract_precision<fp32>, transpose_lhs_hint = false} : vector<256x256xf32>, vector<1x256xf32>, vector<256x1xf32> -> vector<256x1xf32>
    %slice3A_142 = vector.extract_strided_slice %mul3A_127 {offsets = [0, 0], sizes = [1, 256], strides = [1, 1]} : vector<1x2048xf32> to vector<1x256xf32>
    %dot_general3A_143 = arith.constant dense<0.000000e+00> : vector<256x1xf32>
    %dot_general3A_144 = tpu.matmul %convert_element_type3A_130, %slice3A_142, %dot_general3A_143 {dimension_numbers = #tpu.dot_dimension_numbers<[1], [1], [0], [0], [0, 0, 1, 0], [], []>, precision = #tpu.contract_precision<fp32>, transpose_lhs_hint = false} : vector<256x256xf32>, vector<1x256xf32>, vector<256x1xf32> -> vector<256x1xf32>
    %max3A_145 = vector.broadcast %dot_general3A_132 : vector<256x1xf32> to vector<256x2048xf32>
    %max3A_146 = vector.broadcast %min3A_111 : vector<1x2048xf32> to vector<256x2048xf32>
    %max3A_147 = arith.maximumf %max3A_145, %max3A_146 : vector<256x2048xf32>
    %max3A_148 = vector.broadcast %dot_general3A_135 : vector<256x1xf32> to vector<256x2048xf32>
    %max3A_149 = vector.broadcast %min3A_116 : vector<1x2048xf32> to vector<256x2048xf32>
    %max3A_150 = arith.maximumf %max3A_148, %max3A_149 : vector<256x2048xf32>
    %min3A_151 = vector.broadcast %dot_general3A_138 : vector<256x1xf32> to vector<256x2048xf32>
    %min3A_152 = vector.broadcast %max3A_113 : vector<1x2048xf32> to vector<256x2048xf32>
    %min3A_153 = arith.minimumf %min3A_151, %min3A_152 : vector<256x2048xf32>
    %min3A_154 = vector.broadcast %dot_general3A_141 : vector<256x1xf32> to vector<256x2048xf32>
    %min3A_155 = vector.broadcast %max3A_119 : vector<1x2048xf32> to vector<256x2048xf32>
    %min3A_156 = arith.minimumf %min3A_154, %min3A_155 : vector<256x2048xf32>
    %sub3A_157 = arith.subf %min3A_153, %max3A_147 : vector<256x2048xf32>
    %jit3A_158 = arith.constant 0.000000e+00 : f32
    %max3A_159 = vector.broadcast %jit3A_158 : f32 to vector<256x2048xf32>
    %max3A_160 = arith.maximumf %max3A_159, %sub3A_157 : vector<256x2048xf32>
    %sub3A_161 = arith.subf %min3A_156, %max3A_150 : vector<256x2048xf32>
    %jit3A_162 = arith.constant 0.000000e+00 : f32
    %max3A_163 = vector.broadcast %jit3A_162 : f32 to vector<256x2048xf32>
    %max3A_164 = arith.maximumf %max3A_163, %sub3A_161 : vector<256x2048xf32>
    %mul3A_165 = arith.mulf %max3A_160, %max3A_164 : vector<256x2048xf32>
    %add3A_166 = vector.broadcast %dot_general3A_144 : vector<256x1xf32> to vector<256x2048xf32>
    %add3A_167 = vector.broadcast %mul3A_127 : vector<1x2048xf32> to vector<256x2048xf32>
    %add3A_168 = arith.addf %add3A_166, %add3A_167 : vector<256x2048xf32>
    %sub3A_169 = arith.subf %add3A_168, %mul3A_165 : vector<256x2048xf32>
    %add3A_170 = arith.constant 9.99999971E-10 : f32
    %add3A_171 = vector.broadcast %add3A_170 : f32 to vector<256x2048xf32>
    %add3A_172 = arith.addf %sub3A_169, %add3A_171 : vector<256x2048xf32>
    %mul3A_173 = arith.constant 3.000000e-01 : f32
    %mul3A_174 = vector.broadcast %mul3A_173 : f32 to vector<256x2048xf32>
    %mul3A_175 = arith.mulf %mul3A_174, %add3A_172 : vector<256x2048xf32>
    %gt3A = arith.cmpf ogt, %mul3A_165, %mul3A_175 : vector<256x2048xf32>
    %convert_element_type3A_176 = arith.extui %gt3A : vector<256x2048xi1> to vector<256x2048xi32>
    %convert_element_type3A_177 = arith.sitofp %convert_element_type3A_176 : vector<256x2048xi32> to vector<256x2048xf32>
    %swap3A = arith.constant 0 : index
    %swap3A_178 = arith.constant 0 : index
    %swap3A_179 = vector.load %arg6[%swap3A, %swap3A_178] : memref<2048x2048xf32, #tpu.memory_space<vmem>>, vector<256x2048xf32>
    tpu.vector_store %arg6[%swap3A, %swap3A_178], %convert_element_type3A_177 {strides = array<i32>} : memref<2048x2048xf32, #tpu.memory_space<vmem>>, vector<256x2048xf32>,
    %slice3A_180 = vector.extract_strided_slice %min3A_111 {offsets = [0, 256], sizes = [1, 256], strides = [1, 1]} : vector<1x2048xf32> to vector<1x256xf32>
    %dot_general3A_181 = arith.constant dense<0.000000e+00> : vector<256x1xf32>
    %dot_general3A_182 = tpu.matmul %convert_element_type3A_130, %slice3A_180, %dot_general3A_181 {dimension_numbers = #tpu.dot_dimension_numbers<[1], [1], [0], [0], [0, 0, 1, 0], [], []>, precision = #tpu.contract_precision<fp32>, transpose_lhs_hint = false} : vector<256x256xf32>, vector<1x256xf32>, vector<256x1xf32> -> vector<256x1xf32>
    %slice3A_183 = vector.extract_strided_slice %min3A_116 {offsets = [0, 256], sizes = [1, 256], strides = [1, 1]} : vector<1x2048xf32> to vector<1x256xf32>
    %dot_general3A_184 = arith.constant dense<0.000000e+00> : vector<256x1xf32>
    %dot_general3A_185 = tpu.matmul %convert_element_type3A_130, %slice3A_183, %dot_general3A_184 {dimension_numbers = #tpu.dot_dimension_numbers<[1], [1], [0], [0], [0, 0, 1, 0], [], []>, precision = #tpu.contract_precision<fp32>, transpose_lhs_hint = false} : vector<256x256xf32>, vector<1x256xf32>, vector<256x1xf32> -> vector<256x1xf32>
    %slice3A_186 = vector.extract_strided_slice %max3A_113 {offsets = [0, 256], sizes = [1, 256], strides = [1, 1]} : vector<1x2048xf32> to vector<1x256xf32>
    %dot_general3A_187 = arith.constant dense<0.000000e+00> : vector<256x1xf32>
    %dot_general3A_188 = tpu.matmul %convert_element_type3A_130, %slice3A_186, %dot_general3A_187 {dimension_numbers = #tpu.dot_dimension_numbers<[1], [1], [0], [0], [0, 0, 1, 0], [], []>, precision = #tpu.contract_precision<fp32>, transpose_lhs_hint = false} : vector<256x256xf32>, vector<1x256xf32>, vector<256x1xf32> -> vector<256x1xf32>
    %slice3A_189 = vector.extract_strided_slice %max3A_119 {offsets = [0, 256], sizes = [1, 256], strides = [1, 1]} : vector<1x2048xf32> to vector<1x256xf32>
    %dot_general3A_190 = arith.constant dense<0.000000e+00> : vector<256x1xf32>
    %dot_general3A_191 = tpu.matmul %convert_element_type3A_130, %slice3A_189, %dot_general3A_190 {dimension_numbers = #tpu.dot_dimension_numbers<[1], [1], [0], [0], [0, 0, 1, 0], [], []>, precision = #tpu.contract_precision<fp32>, transpose_lhs_hint = false} : vector<256x256xf32>, vector<1x256xf32>, vector<256x1xf32> -> vector<256x1xf32>
    %slice3A_192 = vector.extract_strided_slice %mul3A_127 {offsets = [0, 256], sizes = [1, 256], strides = [1, 1]} : vector<1x2048xf32> to vector<1x256xf32>
    %dot_general3A_193 = arith.constant dense<0.000000e+00> : vector<256x1xf32>
    %dot_general3A_194 = tpu.matmul %convert_element_type3A_130, %slice3A_192, %dot_general3A_193 {dimension_numbers = #tpu.dot_dimension_numbers<[1], [1], [0], [0], [0, 0, 1, 0], [], []>, precision = #tpu.contract_precision<fp32>, transpose_lhs_hint = false} : vector<256x256xf32>, vector<1x256xf32>, vector<256x1xf32> -> vector<256x1xf32>
    %max3A_195 = vector.broadcast %dot_general3A_182 : vector<256x1xf32> to vector<256x2048xf32>
    %max3A_196 = vector.broadcast %min3A_111 : vector<1x2048xf32> to vector<256x2048xf32>
    %max3A_197 = arith.maximumf %max3A_195, %max3A_196 : vector<256x2048xf32>
    %max3A_198 = vector.broadcast %dot_general3A_185 : vector<256x1xf32> to vector<256x2048xf32>
    %max3A_199 = vector.broadcast %min3A_116 : vector<1x2048xf32> to vector<256x2048xf32>
    %max3A_200 = arith.maximumf %max3A_198, %max3A_199 : vector<256x2048xf32>
    %min3A_201 = vector.broadcast %dot_general3A_188 : vector<256x1xf32> to vector<256x2048xf32>
    %min3A_202 = vector.broadcast %max3A_113 : vector<1x2048xf32> to vector<256x2048xf32>
    %min3A_203 = arith.minimumf %min3A_201, %min3A_202 : vector<256x2048xf32>
    %min3A_204 = vector.broadcast %dot_general3A_191 : vector<256x1xf32> to vector<256x2048xf32>
    %min3A_205 = vector.broadcast %max3A_119 : vector<1x2048xf32> to vector<256x2048xf32>
    %min3A_206 = arith.minimumf %min3A_204, %min3A_205 : vector<256x2048xf32>
    %sub3A_207 = arith.subf %min3A_203, %max3A_197 : vector<256x2048xf32>
    %jit3A_208 = arith.constant 0.000000e+00 : f32
    %max3A_209 = vector.broadcast %jit3A_208 : f32 to vector<256x2048xf32>
    %max3A_210 = arith.maximumf %max3A_209, %sub3A_207 : vector<256x2048xf32>
    %sub3A_211 = arith.subf %min3A_206, %max3A_200 : vector<256x2048xf32>
    %jit3A_212 = arith.constant 0.000000e+00 : f32
    %max3A_213 = vector.broadcast %jit3A_212 : f32 to vector<256x2048xf32>
    %max3A_214 = arith.maximumf %max3A_213, %sub3A_211 : vector<256x2048xf32>
    %mul3A_215 = arith.mulf %max3A_210, %max3A_214 : vector<256x2048xf32>
    %add3A_216 = vector.broadcast %dot_general3A_194 : vector<256x1xf32> to vector<256x2048xf32>
    %add3A_217 = vector.broadcast %mul3A_127 : vector<1x2048xf32> to vector<256x2048xf32>
    %add3A_218 = arith.addf %add3A_216, %add3A_217 : vector<256x2048xf32>
    %sub3A_219 = arith.subf %add3A_218, %mul3A_215 : vector<256x2048xf32>
    %add3A_220 = arith.constant 9.99999971E-10 : f32
    %add3A_221 = vector.broadcast %add3A_220 : f32 to vector<256x2048xf32>
    %add3A_222 = arith.addf %sub3A_219, %add3A_221 : vector<256x2048xf32>
    %mul3A_223 = arith.constant 3.000000e-01 : f32
    %mul3A_224 = vector.broadcast %mul3A_223 : f32 to vector<256x2048xf32>
    %mul3A_225 = arith.mulf %mul3A_224, %add3A_222 : vector<256x2048xf32>
    %gt3A_226 = arith.cmpf ogt, %mul3A_215, %mul3A_225 : vector<256x2048xf32>
    %convert_element_type3A_227 = arith.extui %gt3A_226 : vector<256x2048xi1> to vector<256x2048xi32>
    %convert_element_type3A_228 = arith.sitofp %convert_element_type3A_227 : vector<256x2048xi32> to vector<256x2048xf32>
    %swap3A_229 = arith.constant 256 : index
    %swap3A_230 = arith.constant 0 : index
    %swap3A_231 = vector.load %arg6[%swap3A_229, %swap3A_230] : memref<2048x2048xf32, #tpu.memory_space<vmem>>, vector<256x2048xf32>
    tpu.vector_store %arg6[%swap3A_229, %swap3A_230], %convert_element_type3A_228 {strides = array<i32>} : memref<2048x2048xf32, #tpu.memory_space<vmem>>, vector<256x2048xf32>,
    %slice3A_232 = vector.extract_strided_slice %min3A_111 {offsets = [0, 512], sizes = [1, 256], strides = [1, 1]} : vector<1x2048xf32> to vector<1x256xf32>
    %dot_general3A_233 = arith.constant dense<0.000000e+00> : vector<256x1xf32>
    %dot_general3A_234 = tpu.matmul %convert_element_type3A_130, %slice3A_232, %dot_general3A_233 {dimension_numbers = #tpu.dot_dimension_numbers<[1], [1], [0], [0], [0, 0, 1, 0], [], []>, precision = #tpu.contract_precision<fp32>, transpose_lhs_hint = false} : vector<256x256xf32>, vector<1x256xf32>, vector<256x1xf32> -> vector<256x1xf32>
    %slice3A_235 = vector.extract_strided_slice %min3A_116 {offsets = [0, 512], sizes = [1, 256], strides = [1, 1]} : vector<1x2048xf32> to vector<1x256xf32>
    %dot_general3A_236 = arith.constant dense<0.000000e+00> : vector<256x1xf32>
    %dot_general3A_237 = tpu.matmul %convert_element_type3A_130, %slice3A_235, %dot_general3A_236 {dimension_numbers = #tpu.dot_dimension_numbers<[1], [1], [0], [0], [0, 0, 1, 0], [], []>, precision = #tpu.contract_precision<fp32>, transpose_lhs_hint = false} : vector<256x256xf32>, vector<1x256xf32>, vector<256x1xf32> -> vector<256x1xf32>
    %slice3A_238 = vector.extract_strided_slice %max3A_113 {offsets = [0, 512], sizes = [1, 256], strides = [1, 1]} : vector<1x2048xf32> to vector<1x256xf32>
    %dot_general3A_239 = arith.constant dense<0.000000e+00> : vector<256x1xf32>
    %dot_general3A_240 = tpu.matmul %convert_element_type3A_130, %slice3A_238, %dot_general3A_239 {dimension_numbers = #tpu.dot_dimension_numbers<[1], [1], [0], [0], [0, 0, 1, 0], [], []>, precision = #tpu.contract_precision<fp32>, transpose_lhs_hint = false} : vector<256x256xf32>, vector<1x256xf32>, vector<256x1xf32> -> vector<256x1xf32>
    %slice3A_241 = vector.extract_strided_slice %max3A_119 {offsets = [0, 512], sizes = [1, 256], strides = [1, 1]} : vector<1x2048xf32> to vector<1x256xf32>
    %dot_general3A_242 = arith.constant dense<0.000000e+00> : vector<256x1xf32>
    %dot_general3A_243 = tpu.matmul %convert_element_type3A_130, %slice3A_241, %dot_general3A_242 {dimension_numbers = #tpu.dot_dimension_numbers<[1], [1], [0], [0], [0, 0, 1, 0], [], []>, precision = #tpu.contract_precision<fp32>, transpose_lhs_hint = false} : vector<256x256xf32>, vector<1x256xf32>, vector<256x1xf32> -> vector<256x1xf32>
    %slice3A_244 = vector.extract_strided_slice %mul3A_127 {offsets = [0, 512], sizes = [1, 256], strides = [1, 1]} : vector<1x2048xf32> to vector<1x256xf32>
    %dot_general3A_245 = arith.constant dense<0.000000e+00> : vector<256x1xf32>
    %dot_general3A_246 = tpu.matmul %convert_element_type3A_130, %slice3A_244, %dot_general3A_245 {dimension_numbers = #tpu.dot_dimension_numbers<[1], [1], [0], [0], [0, 0, 1, 0], [], []>, precision = #tpu.contract_precision<fp32>, transpose_lhs_hint = false} : vector<256x256xf32>, vector<1x256xf32>, vector<256x1xf32> -> vector<256x1xf32>
    %max3A_247 = vector.broadcast %dot_general3A_234 : vector<256x1xf32> to vector<256x2048xf32>
    %max3A_248 = vector.broadcast %min3A_111 : vector<1x2048xf32> to vector<256x2048xf32>
    %max3A_249 = arith.maximumf %max3A_247, %max3A_248 : vector<256x2048xf32>
    %max3A_250 = vector.broadcast %dot_general3A_237 : vector<256x1xf32> to vector<256x2048xf32>
    %max3A_251 = vector.broadcast %min3A_116 : vector<1x2048xf32> to vector<256x2048xf32>
    %max3A_252 = arith.maximumf %max3A_250, %max3A_251 : vector<256x2048xf32>
    %min3A_253 = vector.broadcast %dot_general3A_240 : vector<256x1xf32> to vector<256x2048xf32>
    %min3A_254 = vector.broadcast %max3A_113 : vector<1x2048xf32> to vector<256x2048xf32>
    %min3A_255 = arith.minimumf %min3A_253, %min3A_254 : vector<256x2048xf32>
    %min3A_256 = vector.broadcast %dot_general3A_243 : vector<256x1xf32> to vector<256x2048xf32>
    %min3A_257 = vector.broadcast %max3A_119 : vector<1x2048xf32> to vector<256x2048xf32>
    %min3A_258 = arith.minimumf %min3A_256, %min3A_257 : vector<256x2048xf32>
    %sub3A_259 = arith.subf %min3A_255, %max3A_249 : vector<256x2048xf32>
    %jit3A_260 = arith.constant 0.000000e+00 : f32
    %max3A_261 = vector.broadcast %jit3A_260 : f32 to vector<256x2048xf32>
    %max3A_262 = arith.maximumf %max3A_261, %sub3A_259 : vector<256x2048xf32>
    %sub3A_263 = arith.subf %min3A_258, %max3A_252 : vector<256x2048xf32>
    %jit3A_264 = arith.constant 0.000000e+00 : f32
    %max3A_265 = vector.broadcast %jit3A_264 : f32 to vector<256x2048xf32>
    %max3A_266 = arith.maximumf %max3A_265, %sub3A_263 : vector<256x2048xf32>
    %mul3A_267 = arith.mulf %max3A_262, %max3A_266 : vector<256x2048xf32>
    %add3A_268 = vector.broadcast %dot_general3A_246 : vector<256x1xf32> to vector<256x2048xf32>
    %add3A_269 = vector.broadcast %mul3A_127 : vector<1x2048xf32> to vector<256x2048xf32>
    %add3A_270 = arith.addf %add3A_268, %add3A_269 : vector<256x2048xf32>
    %sub3A_271 = arith.subf %add3A_270, %mul3A_267 : vector<256x2048xf32>
    %add3A_272 = arith.constant 9.99999971E-10 : f32
    %add3A_273 = vector.broadcast %add3A_272 : f32 to vector<256x2048xf32>
    %add3A_274 = arith.addf %sub3A_271, %add3A_273 : vector<256x2048xf32>
    %mul3A_275 = arith.constant 3.000000e-01 : f32
    %mul3A_276 = vector.broadcast %mul3A_275 : f32 to vector<256x2048xf32>
    %mul3A_277 = arith.mulf %mul3A_276, %add3A_274 : vector<256x2048xf32>
    %gt3A_278 = arith.cmpf ogt, %mul3A_267, %mul3A_277 : vector<256x2048xf32>
    %convert_element_type3A_279 = arith.extui %gt3A_278 : vector<256x2048xi1> to vector<256x2048xi32>
    %convert_element_type3A_280 = arith.sitofp %convert_element_type3A_279 : vector<256x2048xi32> to vector<256x2048xf32>
    %swap3A_281 = arith.constant 512 : index
    %swap3A_282 = arith.constant 0 : index
    %swap3A_283 = vector.load %arg6[%swap3A_281, %swap3A_282] : memref<2048x2048xf32, #tpu.memory_space<vmem>>, vector<256x2048xf32>
    tpu.vector_store %arg6[%swap3A_281, %swap3A_282], %convert_element_type3A_280 {strides = array<i32>} : memref<2048x2048xf32, #tpu.memory_space<vmem>>, vector<256x2048xf32>,
    %slice3A_284 = vector.extract_strided_slice %min3A_111 {offsets = [0, 768], sizes = [1, 256], strides = [1, 1]} : vector<1x2048xf32> to vector<1x256xf32>
    %dot_general3A_285 = arith.constant dense<0.000000e+00> : vector<256x1xf32>
    %dot_general3A_286 = tpu.matmul %convert_element_type3A_130, %slice3A_284, %dot_general3A_285 {dimension_numbers = #tpu.dot_dimension_numbers<[1], [1], [0], [0], [0, 0, 1, 0], [], []>, precision = #tpu.contract_precision<fp32>, transpose_lhs_hint = false} : vector<256x256xf32>, vector<1x256xf32>, vector<256x1xf32> -> vector<256x1xf32>
    %slice3A_287 = vector.extract_strided_slice %min3A_116 {offsets = [0, 768], sizes = [1, 256], strides = [1, 1]} : vector<1x2048xf32> to vector<1x256xf32>
    %dot_general3A_288 = arith.constant dense<0.000000e+00> : vector<256x1xf32>
    %dot_general3A_289 = tpu.matmul %convert_element_type3A_130, %slice3A_287, %dot_general3A_288 {dimension_numbers = #tpu.dot_dimension_numbers<[1], [1], [0], [0], [0, 0, 1, 0], [], []>, precision = #tpu.contract_precision<fp32>, transpose_lhs_hint = false} : vector<256x256xf32>, vector<1x256xf32>, vector<256x1xf32> -> vector<256x1xf32>
    %slice3A_290 = vector.extract_strided_slice %max3A_113 {offsets = [0, 768], sizes = [1, 256], strides = [1, 1]} : vector<1x2048xf32> to vector<1x256xf32>
    %dot_general3A_291 = arith.constant dense<0.000000e+00> : vector<256x1xf32>
    %dot_general3A_292 = tpu.matmul %convert_element_type3A_130, %slice3A_290, %dot_general3A_291 {dimension_numbers = #tpu.dot_dimension_numbers<[1], [1], [0], [0], [0, 0, 1, 0], [], []>, precision = #tpu.contract_precision<fp32>, transpose_lhs_hint = false} : vector<256x256xf32>, vector<1x256xf32>, vector<256x1xf32> -> vector<256x1xf32>
    %slice3A_293 = vector.extract_strided_slice %max3A_119 {offsets = [0, 768], sizes = [1, 256], strides = [1, 1]} : vector<1x2048xf32> to vector<1x256xf32>
    %dot_general3A_294 = arith.constant dense<0.000000e+00> : vector<256x1xf32>
    %dot_general3A_295 = tpu.matmul %convert_element_type3A_130, %slice3A_293, %dot_general3A_294 {dimension_numbers = #tpu.dot_dimension_numbers<[1], [1], [0], [0], [0, 0, 1, 0], [], []>, precision = #tpu.contract_precision<fp32>, transpose_lhs_hint = false} : vector<256x256xf32>, vector<1x256xf32>, vector<256x1xf32> -> vector<256x1xf32>
    %slice3A_296 = vector.extract_strided_slice %mul3A_127 {offsets = [0, 768], sizes = [1, 256], strides = [1, 1]} : vector<1x2048xf32> to vector<1x256xf32>
    %dot_general3A_297 = arith.constant dense<0.000000e+00> : vector<256x1xf32>
    %dot_general3A_298 = tpu.matmul %convert_element_type3A_130, %slice3A_296, %dot_general3A_297 {dimension_numbers = #tpu.dot_dimension_numbers<[1], [1], [0], [0], [0, 0, 1, 0], [], []>, precision = #tpu.contract_precision<fp32>, transpose_lhs_hint = false} : vector<256x256xf32>, vector<1x256xf32>, vector<256x1xf32> -> vector<256x1xf32>
    %max3A_299 = vector.broadcast %dot_general3A_286 : vector<256x1xf32> to vector<256x2048xf32>
    %max3A_300 = vector.broadcast %min3A_111 : vector<1x2048xf32> to vector<256x2048xf32>
    %max3A_301 = arith.maximumf %max3A_299, %max3A_300 : vector<256x2048xf32>
    %max3A_302 = vector.broadcast %dot_general3A_289 : vector<256x1xf32> to vector<256x2048xf32>
    %max3A_303 = vector.broadcast %min3A_116 : vector<1x2048xf32> to vector<256x2048xf32>
    %max3A_304 = arith.maximumf %max3A_302, %max3A_303 : vector<256x2048xf32>
    %min3A_305 = vector.broadcast %dot_general3A_292 : vector<256x1xf32> to vector<256x2048xf32>
    %min3A_306 = vector.broadcast %max3A_113 : vector<1x2048xf32> to vector<256x2048xf32>
    %min3A_307 = arith.minimumf %min3A_305, %min3A_306 : vector<256x2048xf32>
    %min3A_308 = vector.broadcast %dot_general3A_295 : vector<256x1xf32> to vector<256x2048xf32>
    %min3A_309 = vector.broadcast %max3A_119 : vector<1x2048xf32> to vector<256x2048xf32>
    %min3A_310 = arith.minimumf %min3A_308, %min3A_309 : vector<256x2048xf32>
    %sub3A_311 = arith.subf %min3A_307, %max3A_301 : vector<256x2048xf32>
    %jit3A_312 = arith.constant 0.000000e+00 : f32
    %max3A_313 = vector.broadcast %jit3A_312 : f32 to vector<256x2048xf32>
    %max3A_314 = arith.maximumf %max3A_313, %sub3A_311 : vector<256x2048xf32>
    %sub3A_315 = arith.subf %min3A_310, %max3A_304 : vector<256x2048xf32>
    %jit3A_316 = arith.constant 0.000000e+00 : f32
    %max3A_317 = vector.broadcast %jit3A_316 : f32 to vector<256x2048xf32>
    %max3A_318 = arith.maximumf %max3A_317, %sub3A_315 : vector<256x2048xf32>
    %mul3A_319 = arith.mulf %max3A_314, %max3A_318 : vector<256x2048xf32>
    %add3A_320 = vector.broadcast %dot_general3A_298 : vector<256x1xf32> to vector<256x2048xf32>
    %add3A_321 = vector.broadcast %mul3A_127 : vector<1x2048xf32> to vector<256x2048xf32>
    %add3A_322 = arith.addf %add3A_320, %add3A_321 : vector<256x2048xf32>
    %sub3A_323 = arith.subf %add3A_322, %mul3A_319 : vector<256x2048xf32>
    %add3A_324 = arith.constant 9.99999971E-10 : f32
    %add3A_325 = vector.broadcast %add3A_324 : f32 to vector<256x2048xf32>
    %add3A_326 = arith.addf %sub3A_323, %add3A_325 : vector<256x2048xf32>
    %mul3A_327 = arith.constant 3.000000e-01 : f32
    %mul3A_328 = vector.broadcast %mul3A_327 : f32 to vector<256x2048xf32>
    %mul3A_329 = arith.mulf %mul3A_328, %add3A_326 : vector<256x2048xf32>
    %gt3A_330 = arith.cmpf ogt, %mul3A_319, %mul3A_329 : vector<256x2048xf32>
    %convert_element_type3A_331 = arith.extui %gt3A_330 : vector<256x2048xi1> to vector<256x2048xi32>
    %convert_element_type3A_332 = arith.sitofp %convert_element_type3A_331 : vector<256x2048xi32> to vector<256x2048xf32>
    %swap3A_333 = arith.constant 768 : index
    %swap3A_334 = arith.constant 0 : index
    %swap3A_335 = vector.load %arg6[%swap3A_333, %swap3A_334] : memref<2048x2048xf32, #tpu.memory_space<vmem>>, vector<256x2048xf32>
    tpu.vector_store %arg6[%swap3A_333, %swap3A_334], %convert_element_type3A_332 {strides = array<i32>} : memref<2048x2048xf32, #tpu.memory_space<vmem>>, vector<256x2048xf32>,
    %slice3A_336 = vector.extract_strided_slice %min3A_111 {offsets = [0, 1024], sizes = [1, 256], strides = [1, 1]} : vector<1x2048xf32> to vector<1x256xf32>
    %dot_general3A_337 = arith.constant dense<0.000000e+00> : vector<256x1xf32>
    %dot_general3A_338 = tpu.matmul %convert_element_type3A_130, %slice3A_336, %dot_general3A_337 {dimension_numbers = #tpu.dot_dimension_numbers<[1], [1], [0], [0], [0, 0, 1, 0], [], []>, precision = #tpu.contract_precision<fp32>, transpose_lhs_hint = false} : vector<256x256xf32>, vector<1x256xf32>, vector<256x1xf32> -> vector<256x1xf32>
    %slice3A_339 = vector.extract_strided_slice %min3A_116 {offsets = [0, 1024], sizes = [1, 256], strides = [1, 1]} : vector<1x2048xf32> to vector<1x256xf32>
    %dot_general3A_340 = arith.constant dense<0.000000e+00> : vector<256x1xf32>
    %dot_general3A_341 = tpu.matmul %convert_element_type3A_130, %slice3A_339, %dot_general3A_340 {dimension_numbers = #tpu.dot_dimension_numbers<[1], [1], [0], [0], [0, 0, 1, 0], [], []>, precision = #tpu.contract_precision<fp32>, transpose_lhs_hint = false} : vector<256x256xf32>, vector<1x256xf32>, vector<256x1xf32> -> vector<256x1xf32>
    %slice3A_342 = vector.extract_strided_slice %max3A_113 {offsets = [0, 1024], sizes = [1, 256], strides = [1, 1]} : vector<1x2048xf32> to vector<1x256xf32>
    %dot_general3A_343 = arith.constant dense<0.000000e+00> : vector<256x1xf32>
    %dot_general3A_344 = tpu.matmul %convert_element_type3A_130, %slice3A_342, %dot_general3A_343 {dimension_numbers = #tpu.dot_dimension_numbers<[1], [1], [0], [0], [0, 0, 1, 0], [], []>, precision = #tpu.contract_precision<fp32>, transpose_lhs_hint = false} : vector<256x256xf32>, vector<1x256xf32>, vector<256x1xf32> -> vector<256x1xf32>
    %slice3A_345 = vector.extract_strided_slice %max3A_119 {offsets = [0, 1024], sizes = [1, 256], strides = [1, 1]} : vector<1x2048xf32> to vector<1x256xf32>
    %dot_general3A_346 = arith.constant dense<0.000000e+00> : vector<256x1xf32>
    %dot_general3A_347 = tpu.matmul %convert_element_type3A_130, %slice3A_345, %dot_general3A_346 {dimension_numbers = #tpu.dot_dimension_numbers<[1], [1], [0], [0], [0, 0, 1, 0], [], []>, precision = #tpu.contract_precision<fp32>, transpose_lhs_hint = false} : vector<256x256xf32>, vector<1x256xf32>, vector<256x1xf32> -> vector<256x1xf32>
    %slice3A_348 = vector.extract_strided_slice %mul3A_127 {offsets = [0, 1024], sizes = [1, 256], strides = [1, 1]} : vector<1x2048xf32> to vector<1x256xf32>
    %dot_general3A_349 = arith.constant dense<0.000000e+00> : vector<256x1xf32>
    %dot_general3A_350 = tpu.matmul %convert_element_type3A_130, %slice3A_348, %dot_general3A_349 {dimension_numbers = #tpu.dot_dimension_numbers<[1], [1], [0], [0], [0, 0, 1, 0], [], []>, precision = #tpu.contract_precision<fp32>, transpose_lhs_hint = false} : vector<256x256xf32>, vector<1x256xf32>, vector<256x1xf32> -> vector<256x1xf32>
    %max3A_351 = vector.broadcast %dot_general3A_338 : vector<256x1xf32> to vector<256x2048xf32>
    %max3A_352 = vector.broadcast %min3A_111 : vector<1x2048xf32> to vector<256x2048xf32>
    %max3A_353 = arith.maximumf %max3A_351, %max3A_352 : vector<256x2048xf32>
    %max3A_354 = vector.broadcast %dot_general3A_341 : vector<256x1xf32> to vector<256x2048xf32>
    %max3A_355 = vector.broadcast %min3A_116 : vector<1x2048xf32> to vector<256x2048xf32>
    %max3A_356 = arith.maximumf %max3A_354, %max3A_355 : vector<256x2048xf32>
    %min3A_357 = vector.broadcast %dot_general3A_344 : vector<256x1xf32> to vector<256x2048xf32>
    %min3A_358 = vector.broadcast %max3A_113 : vector<1x2048xf32> to vector<256x2048xf32>
    %min3A_359 = arith.minimumf %min3A_357, %min3A_358 : vector<256x2048xf32>
    %min3A_360 = vector.broadcast %dot_general3A_347 : vector<256x1xf32> to vector<256x2048xf32>
    %min3A_361 = vector.broadcast %max3A_119 : vector<1x2048xf32> to vector<256x2048xf32>
    %min3A_362 = arith.minimumf %min3A_360, %min3A_361 : vector<256x2048xf32>
    %sub3A_363 = arith.subf %min3A_359, %max3A_353 : vector<256x2048xf32>
    %jit3A_364 = arith.constant 0.000000e+00 : f32
    %max3A_365 = vector.broadcast %jit3A_364 : f32 to vector<256x2048xf32>
    %max3A_366 = arith.maximumf %max3A_365, %sub3A_363 : vector<256x2048xf32>
    %sub3A_367 = arith.subf %min3A_362, %max3A_356 : vector<256x2048xf32>
    %jit3A_368 = arith.constant 0.000000e+00 : f32
    %max3A_369 = vector.broadcast %jit3A_368 : f32 to vector<256x2048xf32>
    %max3A_370 = arith.maximumf %max3A_369, %sub3A_367 : vector<256x2048xf32>
    %mul3A_371 = arith.mulf %max3A_366, %max3A_370 : vector<256x2048xf32>
    %add3A_372 = vector.broadcast %dot_general3A_350 : vector<256x1xf32> to vector<256x2048xf32>
    %add3A_373 = vector.broadcast %mul3A_127 : vector<1x2048xf32> to vector<256x2048xf32>
    %add3A_374 = arith.addf %add3A_372, %add3A_373 : vector<256x2048xf32>
    %sub3A_375 = arith.subf %add3A_374, %mul3A_371 : vector<256x2048xf32>
    %add3A_376 = arith.constant 9.99999971E-10 : f32
    %add3A_377 = vector.broadcast %add3A_376 : f32 to vector<256x2048xf32>
    %add3A_378 = arith.addf %sub3A_375, %add3A_377 : vector<256x2048xf32>
    %mul3A_379 = arith.constant 3.000000e-01 : f32
    %mul3A_380 = vector.broadcast %mul3A_379 : f32 to vector<256x2048xf32>
    %mul3A_381 = arith.mulf %mul3A_380, %add3A_378 : vector<256x2048xf32>
    %gt3A_382 = arith.cmpf ogt, %mul3A_371, %mul3A_381 : vector<256x2048xf32>
    %convert_element_type3A_383 = arith.extui %gt3A_382 : vector<256x2048xi1> to vector<256x2048xi32>
    %convert_element_type3A_384 = arith.sitofp %convert_element_type3A_383 : vector<256x2048xi32> to vector<256x2048xf32>
    %swap3A_385 = arith.constant 1024 : index
    %swap3A_386 = arith.constant 0 : index
    %swap3A_387 = vector.load %arg6[%swap3A_385, %swap3A_386] : memref<2048x2048xf32, #tpu.memory_space<vmem>>, vector<256x2048xf32>
    tpu.vector_store %arg6[%swap3A_385, %swap3A_386], %convert_element_type3A_384 {strides = array<i32>} : memref<2048x2048xf32, #tpu.memory_space<vmem>>, vector<256x2048xf32>,
    %slice3A_388 = vector.extract_strided_slice %min3A_111 {offsets = [0, 1280], sizes = [1, 256], strides = [1, 1]} : vector<1x2048xf32> to vector<1x256xf32>
    %dot_general3A_389 = arith.constant dense<0.000000e+00> : vector<256x1xf32>
    %dot_general3A_390 = tpu.matmul %convert_element_type3A_130, %slice3A_388, %dot_general3A_389 {dimension_numbers = #tpu.dot_dimension_numbers<[1], [1], [0], [0], [0, 0, 1, 0], [], []>, precision = #tpu.contract_precision<fp32>, transpose_lhs_hint = false} : vector<256x256xf32>, vector<1x256xf32>, vector<256x1xf32> -> vector<256x1xf32>
    %slice3A_391 = vector.extract_strided_slice %min3A_116 {offsets = [0, 1280], sizes = [1, 256], strides = [1, 1]} : vector<1x2048xf32> to vector<1x256xf32>
    %dot_general3A_392 = arith.constant dense<0.000000e+00> : vector<256x1xf32>
    %dot_general3A_393 = tpu.matmul %convert_element_type3A_130, %slice3A_391, %dot_general3A_392 {dimension_numbers = #tpu.dot_dimension_numbers<[1], [1], [0], [0], [0, 0, 1, 0], [], []>, precision = #tpu.contract_precision<fp32>, transpose_lhs_hint = false} : vector<256x256xf32>, vector<1x256xf32>, vector<256x1xf32> -> vector<256x1xf32>
    %slice3A_394 = vector.extract_strided_slice %max3A_113 {offsets = [0, 1280], sizes = [1, 256], strides = [1, 1]} : vector<1x2048xf32> to vector<1x256xf32>
    %dot_general3A_395 = arith.constant dense<0.000000e+00> : vector<256x1xf32>
    %dot_general3A_396 = tpu.matmul %convert_element_type3A_130, %slice3A_394, %dot_general3A_395 {dimension_numbers = #tpu.dot_dimension_numbers<[1], [1], [0], [0], [0, 0, 1, 0], [], []>, precision = #tpu.contract_precision<fp32>, transpose_lhs_hint = false} : vector<256x256xf32>, vector<1x256xf32>, vector<256x1xf32> -> vector<256x1xf32>
    %slice3A_397 = vector.extract_strided_slice %max3A_119 {offsets = [0, 1280], sizes = [1, 256], strides = [1, 1]} : vector<1x2048xf32> to vector<1x256xf32>
    %dot_general3A_398 = arith.constant dense<0.000000e+00> : vector<256x1xf32>
    %dot_general3A_399 = tpu.matmul %convert_element_type3A_130, %slice3A_397, %dot_general3A_398 {dimension_numbers = #tpu.dot_dimension_numbers<[1], [1], [0], [0], [0, 0, 1, 0], [], []>, precision = #tpu.contract_precision<fp32>, transpose_lhs_hint = false} : vector<256x256xf32>, vector<1x256xf32>, vector<256x1xf32> -> vector<256x1xf32>
    %slice3A_400 = vector.extract_strided_slice %mul3A_127 {offsets = [0, 1280], sizes = [1, 256], strides = [1, 1]} : vector<1x2048xf32> to vector<1x256xf32>
    %dot_general3A_401 = arith.constant dense<0.000000e+00> : vector<256x1xf32>
    %dot_general3A_402 = tpu.matmul %convert_element_type3A_130, %slice3A_400, %dot_general3A_401 {dimension_numbers = #tpu.dot_dimension_numbers<[1], [1], [0], [0], [0, 0, 1, 0], [], []>, precision = #tpu.contract_precision<fp32>, transpose_lhs_hint = false} : vector<256x256xf32>, vector<1x256xf32>, vector<256x1xf32> -> vector<256x1xf32>
    %max3A_403 = vector.broadcast %dot_general3A_390 : vector<256x1xf32> to vector<256x2048xf32>
    %max3A_404 = vector.broadcast %min3A_111 : vector<1x2048xf32> to vector<256x2048xf32>
    %max3A_405 = arith.maximumf %max3A_403, %max3A_404 : vector<256x2048xf32>
    %max3A_406 = vector.broadcast %dot_general3A_393 : vector<256x1xf32> to vector<256x2048xf32>
    %max3A_407 = vector.broadcast %min3A_116 : vector<1x2048xf32> to vector<256x2048xf32>
    %max3A_408 = arith.maximumf %max3A_406, %max3A_407 : vector<256x2048xf32>
    %min3A_409 = vector.broadcast %dot_general3A_396 : vector<256x1xf32> to vector<256x2048xf32>
    %min3A_410 = vector.broadcast %max3A_113 : vector<1x2048xf32> to vector<256x2048xf32>
    %min3A_411 = arith.minimumf %min3A_409, %min3A_410 : vector<256x2048xf32>
    %min3A_412 = vector.broadcast %dot_general3A_399 : vector<256x1xf32> to vector<256x2048xf32>
    %min3A_413 = vector.broadcast %max3A_119 : vector<1x2048xf32> to vector<256x2048xf32>
    %min3A_414 = arith.minimumf %min3A_412, %min3A_413 : vector<256x2048xf32>
    %sub3A_415 = arith.subf %min3A_411, %max3A_405 : vector<256x2048xf32>
    %jit3A_416 = arith.constant 0.000000e+00 : f32
    %max3A_417 = vector.broadcast %jit3A_416 : f32 to vector<256x2048xf32>
    %max3A_418 = arith.maximumf %max3A_417, %sub3A_415 : vector<256x2048xf32>
    %sub3A_419 = arith.subf %min3A_414, %max3A_408 : vector<256x2048xf32>
    %jit3A_420 = arith.constant 0.000000e+00 : f32
    %max3A_421 = vector.broadcast %jit3A_420 : f32 to vector<256x2048xf32>
    %max3A_422 = arith.maximumf %max3A_421, %sub3A_419 : vector<256x2048xf32>
    %mul3A_423 = arith.mulf %max3A_418, %max3A_422 : vector<256x2048xf32>
    %add3A_424 = vector.broadcast %dot_general3A_402 : vector<256x1xf32> to vector<256x2048xf32>
    %add3A_425 = vector.broadcast %mul3A_127 : vector<1x2048xf32> to vector<256x2048xf32>
    %add3A_426 = arith.addf %add3A_424, %add3A_425 : vector<256x2048xf32>
    %sub3A_427 = arith.subf %add3A_426, %mul3A_423 : vector<256x2048xf32>
    %add3A_428 = arith.constant 9.99999971E-10 : f32
    %add3A_429 = vector.broadcast %add3A_428 : f32 to vector<256x2048xf32>
    %add3A_430 = arith.addf %sub3A_427, %add3A_429 : vector<256x2048xf32>
    %mul3A_431 = arith.constant 3.000000e-01 : f32
    %mul3A_432 = vector.broadcast %mul3A_431 : f32 to vector<256x2048xf32>
    %mul3A_433 = arith.mulf %mul3A_432, %add3A_430 : vector<256x2048xf32>
    %gt3A_434 = arith.cmpf ogt, %mul3A_423, %mul3A_433 : vector<256x2048xf32>
    %convert_element_type3A_435 = arith.extui %gt3A_434 : vector<256x2048xi1> to vector<256x2048xi32>
    %convert_element_type3A_436 = arith.sitofp %convert_element_type3A_435 : vector<256x2048xi32> to vector<256x2048xf32>
    %swap3A_437 = arith.constant 1280 : index
    %swap3A_438 = arith.constant 0 : index
    %swap3A_439 = vector.load %arg6[%swap3A_437, %swap3A_438] : memref<2048x2048xf32, #tpu.memory_space<vmem>>, vector<256x2048xf32>
    tpu.vector_store %arg6[%swap3A_437, %swap3A_438], %convert_element_type3A_436 {strides = array<i32>} : memref<2048x2048xf32, #tpu.memory_space<vmem>>, vector<256x2048xf32>,
    %slice3A_440 = vector.extract_strided_slice %min3A_111 {offsets = [0, 1536], sizes = [1, 256], strides = [1, 1]} : vector<1x2048xf32> to vector<1x256xf32>
    %dot_general3A_441 = arith.constant dense<0.000000e+00> : vector<256x1xf32>
    %dot_general3A_442 = tpu.matmul %convert_element_type3A_130, %slice3A_440, %dot_general3A_441 {dimension_numbers = #tpu.dot_dimension_numbers<[1], [1], [0], [0], [0, 0, 1, 0], [], []>, precision = #tpu.contract_precision<fp32>, transpose_lhs_hint = false} : vector<256x256xf32>, vector<1x256xf32>, vector<256x1xf32> -> vector<256x1xf32>
    %slice3A_443 = vector.extract_strided_slice %min3A_116 {offsets = [0, 1536], sizes = [1, 256], strides = [1, 1]} : vector<1x2048xf32> to vector<1x256xf32>
    %dot_general3A_444 = arith.constant dense<0.000000e+00> : vector<256x1xf32>
    %dot_general3A_445 = tpu.matmul %convert_element_type3A_130, %slice3A_443, %dot_general3A_444 {dimension_numbers = #tpu.dot_dimension_numbers<[1], [1], [0], [0], [0, 0, 1, 0], [], []>, precision = #tpu.contract_precision<fp32>, transpose_lhs_hint = false} : vector<256x256xf32>, vector<1x256xf32>, vector<256x1xf32> -> vector<256x1xf32>
    %slice3A_446 = vector.extract_strided_slice %max3A_113 {offsets = [0, 1536], sizes = [1, 256], strides = [1, 1]} : vector<1x2048xf32> to vector<1x256xf32>
    %dot_general3A_447 = arith.constant dense<0.000000e+00> : vector<256x1xf32>
    %dot_general3A_448 = tpu.matmul %convert_element_type3A_130, %slice3A_446, %dot_general3A_447 {dimension_numbers = #tpu.dot_dimension_numbers<[1], [1], [0], [0], [0, 0, 1, 0], [], []>, precision = #tpu.contract_precision<fp32>, transpose_lhs_hint = false} : vector<256x256xf32>, vector<1x256xf32>, vector<256x1xf32> -> vector<256x1xf32>
    %slice3A_449 = vector.extract_strided_slice %max3A_119 {offsets = [0, 1536], sizes = [1, 256], strides = [1, 1]} : vector<1x2048xf32> to vector<1x256xf32>
    %dot_general3A_450 = arith.constant dense<0.000000e+00> : vector<256x1xf32>
    %dot_general3A_451 = tpu.matmul %convert_element_type3A_130, %slice3A_449, %dot_general3A_450 {dimension_numbers = #tpu.dot_dimension_numbers<[1], [1], [0], [0], [0, 0, 1, 0], [], []>, precision = #tpu.contract_precision<fp32>, transpose_lhs_hint = false} : vector<256x256xf32>, vector<1x256xf32>, vector<256x1xf32> -> vector<256x1xf32>
    %slice3A_452 = vector.extract_strided_slice %mul3A_127 {offsets = [0, 1536], sizes = [1, 256], strides = [1, 1]} : vector<1x2048xf32> to vector<1x256xf32>
    %dot_general3A_453 = arith.constant dense<0.000000e+00> : vector<256x1xf32>
    %dot_general3A_454 = tpu.matmul %convert_element_type3A_130, %slice3A_452, %dot_general3A_453 {dimension_numbers = #tpu.dot_dimension_numbers<[1], [1], [0], [0], [0, 0, 1, 0], [], []>, precision = #tpu.contract_precision<fp32>, transpose_lhs_hint = false} : vector<256x256xf32>, vector<1x256xf32>, vector<256x1xf32> -> vector<256x1xf32>
    %max3A_455 = vector.broadcast %dot_general3A_442 : vector<256x1xf32> to vector<256x2048xf32>
    %max3A_456 = vector.broadcast %min3A_111 : vector<1x2048xf32> to vector<256x2048xf32>
    %max3A_457 = arith.maximumf %max3A_455, %max3A_456 : vector<256x2048xf32>
    %max3A_458 = vector.broadcast %dot_general3A_445 : vector<256x1xf32> to vector<256x2048xf32>
    %max3A_459 = vector.broadcast %min3A_116 : vector<1x2048xf32> to vector<256x2048xf32>
    %max3A_460 = arith.maximumf %max3A_458, %max3A_459 : vector<256x2048xf32>
    %min3A_461 = vector.broadcast %dot_general3A_448 : vector<256x1xf32> to vector<256x2048xf32>
    %min3A_462 = vector.broadcast %max3A_113 : vector<1x2048xf32> to vector<256x2048xf32>
    %min3A_463 = arith.minimumf %min3A_461, %min3A_462 : vector<256x2048xf32>
    %min3A_464 = vector.broadcast %dot_general3A_451 : vector<256x1xf32> to vector<256x2048xf32>
    %min3A_465 = vector.broadcast %max3A_119 : vector<1x2048xf32> to vector<256x2048xf32>
    %min3A_466 = arith.minimumf %min3A_464, %min3A_465 : vector<256x2048xf32>
    %sub3A_467 = arith.subf %min3A_463, %max3A_457 : vector<256x2048xf32>
    %jit3A_468 = arith.constant 0.000000e+00 : f32
    %max3A_469 = vector.broadcast %jit3A_468 : f32 to vector<256x2048xf32>
    %max3A_470 = arith.maximumf %max3A_469, %sub3A_467 : vector<256x2048xf32>
    %sub3A_471 = arith.subf %min3A_466, %max3A_460 : vector<256x2048xf32>
    %jit3A_472 = arith.constant 0.000000e+00 : f32
    %max3A_473 = vector.broadcast %jit3A_472 : f32 to vector<256x2048xf32>
    %max3A_474 = arith.maximumf %max3A_473, %sub3A_471 : vector<256x2048xf32>
    %mul3A_475 = arith.mulf %max3A_470, %max3A_474 : vector<256x2048xf32>
    %add3A_476 = vector.broadcast %dot_general3A_454 : vector<256x1xf32> to vector<256x2048xf32>
    %add3A_477 = vector.broadcast %mul3A_127 : vector<1x2048xf32> to vector<256x2048xf32>
    %add3A_478 = arith.addf %add3A_476, %add3A_477 : vector<256x2048xf32>
    %sub3A_479 = arith.subf %add3A_478, %mul3A_475 : vector<256x2048xf32>
    %add3A_480 = arith.constant 9.99999971E-10 : f32
    %add3A_481 = vector.broadcast %add3A_480 : f32 to vector<256x2048xf32>
    %add3A_482 = arith.addf %sub3A_479, %add3A_481 : vector<256x2048xf32>
    %mul3A_483 = arith.constant 3.000000e-01 : f32
    %mul3A_484 = vector.broadcast %mul3A_483 : f32 to vector<256x2048xf32>
    %mul3A_485 = arith.mulf %mul3A_484, %add3A_482 : vector<256x2048xf32>
    %gt3A_486 = arith.cmpf ogt, %mul3A_475, %mul3A_485 : vector<256x2048xf32>
    %convert_element_type3A_487 = arith.extui %gt3A_486 : vector<256x2048xi1> to vector<256x2048xi32>
    %convert_element_type3A_488 = arith.sitofp %convert_element_type3A_487 : vector<256x2048xi32> to vector<256x2048xf32>
    %swap3A_489 = arith.constant 1536 : index
    %swap3A_490 = arith.constant 0 : index
    %swap3A_491 = vector.load %arg6[%swap3A_489, %swap3A_490] : memref<2048x2048xf32, #tpu.memory_space<vmem>>, vector<256x2048xf32>
    tpu.vector_store %arg6[%swap3A_489, %swap3A_490], %convert_element_type3A_488 {strides = array<i32>} : memref<2048x2048xf32, #tpu.memory_space<vmem>>, vector<256x2048xf32>,
    %slice3A_492 = vector.extract_strided_slice %min3A_111 {offsets = [0, 1792], sizes = [1, 256], strides = [1, 1]} : vector<1x2048xf32> to vector<1x256xf32>
    %dot_general3A_493 = arith.constant dense<0.000000e+00> : vector<256x1xf32>
    %dot_general3A_494 = tpu.matmul %convert_element_type3A_130, %slice3A_492, %dot_general3A_493 {dimension_numbers = #tpu.dot_dimension_numbers<[1], [1], [0], [0], [0, 0, 1, 0], [], []>, precision = #tpu.contract_precision<fp32>, transpose_lhs_hint = false} : vector<256x256xf32>, vector<1x256xf32>, vector<256x1xf32> -> vector<256x1xf32>
    %slice3A_495 = vector.extract_strided_slice %min3A_116 {offsets = [0, 1792], sizes = [1, 256], strides = [1, 1]} : vector<1x2048xf32> to vector<1x256xf32>
    %dot_general3A_496 = arith.constant dense<0.000000e+00> : vector<256x1xf32>
    %dot_general3A_497 = tpu.matmul %convert_element_type3A_130, %slice3A_495, %dot_general3A_496 {dimension_numbers = #tpu.dot_dimension_numbers<[1], [1], [0], [0], [0, 0, 1, 0], [], []>, precision = #tpu.contract_precision<fp32>, transpose_lhs_hint = false} : vector<256x256xf32>, vector<1x256xf32>, vector<256x1xf32> -> vector<256x1xf32>
    %slice3A_498 = vector.extract_strided_slice %max3A_113 {offsets = [0, 1792], sizes = [1, 256], strides = [1, 1]} : vector<1x2048xf32> to vector<1x256xf32>
    %dot_general3A_499 = arith.constant dense<0.000000e+00> : vector<256x1xf32>
    %dot_general3A_500 = tpu.matmul %convert_element_type3A_130, %slice3A_498, %dot_general3A_499 {dimension_numbers = #tpu.dot_dimension_numbers<[1], [1], [0], [0], [0, 0, 1, 0], [], []>, precision = #tpu.contract_precision<fp32>, transpose_lhs_hint = false} : vector<256x256xf32>, vector<1x256xf32>, vector<256x1xf32> -> vector<256x1xf32>
    %slice3A_501 = vector.extract_strided_slice %max3A_119 {offsets = [0, 1792], sizes = [1, 256], strides = [1, 1]} : vector<1x2048xf32> to vector<1x256xf32>
    %dot_general3A_502 = arith.constant dense<0.000000e+00> : vector<256x1xf32>
    %dot_general3A_503 = tpu.matmul %convert_element_type3A_130, %slice3A_501, %dot_general3A_502 {dimension_numbers = #tpu.dot_dimension_numbers<[1], [1], [0], [0], [0, 0, 1, 0], [], []>, precision = #tpu.contract_precision<fp32>, transpose_lhs_hint = false} : vector<256x256xf32>, vector<1x256xf32>, vector<256x1xf32> -> vector<256x1xf32>
    %slice3A_504 = vector.extract_strided_slice %mul3A_127 {offsets = [0, 1792], sizes = [1, 256], strides = [1, 1]} : vector<1x2048xf32> to vector<1x256xf32>
    %dot_general3A_505 = arith.constant dense<0.000000e+00> : vector<256x1xf32>
    %dot_general3A_506 = tpu.matmul %convert_element_type3A_130, %slice3A_504, %dot_general3A_505 {dimension_numbers = #tpu.dot_dimension_numbers<[1], [1], [0], [0], [0, 0, 1, 0], [], []>, precision = #tpu.contract_precision<fp32>, transpose_lhs_hint = false} : vector<256x256xf32>, vector<1x256xf32>, vector<256x1xf32> -> vector<256x1xf32>
    %max3A_507 = vector.broadcast %dot_general3A_494 : vector<256x1xf32> to vector<256x2048xf32>
    %max3A_508 = vector.broadcast %min3A_111 : vector<1x2048xf32> to vector<256x2048xf32>
    %max3A_509 = arith.maximumf %max3A_507, %max3A_508 : vector<256x2048xf32>
    %max3A_510 = vector.broadcast %dot_general3A_497 : vector<256x1xf32> to vector<256x2048xf32>
    %max3A_511 = vector.broadcast %min3A_116 : vector<1x2048xf32> to vector<256x2048xf32>
    %max3A_512 = arith.maximumf %max3A_510, %max3A_511 : vector<256x2048xf32>
    %min3A_513 = vector.broadcast %dot_general3A_500 : vector<256x1xf32> to vector<256x2048xf32>
    %min3A_514 = vector.broadcast %max3A_113 : vector<1x2048xf32> to vector<256x2048xf32>
    %min3A_515 = arith.minimumf %min3A_513, %min3A_514 : vector<256x2048xf32>
    %min3A_516 = vector.broadcast %dot_general3A_503 : vector<256x1xf32> to vector<256x2048xf32>
    %min3A_517 = vector.broadcast %max3A_119 : vector<1x2048xf32> to vector<256x2048xf32>
    %min3A_518 = arith.minimumf %min3A_516, %min3A_517 : vector<256x2048xf32>
    %sub3A_519 = arith.subf %min3A_515, %max3A_509 : vector<256x2048xf32>
    %jit3A_520 = arith.constant 0.000000e+00 : f32
    %max3A_521 = vector.broadcast %jit3A_520 : f32 to vector<256x2048xf32>
    %max3A_522 = arith.maximumf %max3A_521, %sub3A_519 : vector<256x2048xf32>
    %sub3A_523 = arith.subf %min3A_518, %max3A_512 : vector<256x2048xf32>
    %jit3A_524 = arith.constant 0.000000e+00 : f32
    %max3A_525 = vector.broadcast %jit3A_524 : f32 to vector<256x2048xf32>
    %max3A_526 = arith.maximumf %max3A_525, %sub3A_523 : vector<256x2048xf32>
    %mul3A_527 = arith.mulf %max3A_522, %max3A_526 : vector<256x2048xf32>
    %add3A_528 = vector.broadcast %dot_general3A_506 : vector<256x1xf32> to vector<256x2048xf32>
    %add3A_529 = vector.broadcast %mul3A_127 : vector<1x2048xf32> to vector<256x2048xf32>
    %add3A_530 = arith.addf %add3A_528, %add3A_529 : vector<256x2048xf32>
    %sub3A_531 = arith.subf %add3A_530, %mul3A_527 : vector<256x2048xf32>
    %add3A_532 = arith.constant 9.99999971E-10 : f32
    %add3A_533 = vector.broadcast %add3A_532 : f32 to vector<256x2048xf32>
    %add3A_534 = arith.addf %sub3A_531, %add3A_533 : vector<256x2048xf32>
    %mul3A_535 = arith.constant 3.000000e-01 : f32
    %mul3A_536 = vector.broadcast %mul3A_535 : f32 to vector<256x2048xf32>
    %mul3A_537 = arith.mulf %mul3A_536, %add3A_534 : vector<256x2048xf32>
    %gt3A_538 = arith.cmpf ogt, %mul3A_527, %mul3A_537 : vector<256x2048xf32>
    %convert_element_type3A_539 = arith.extui %gt3A_538 : vector<256x2048xi1> to vector<256x2048xi32>
    %convert_element_type3A_540 = arith.sitofp %convert_element_type3A_539 : vector<256x2048xi32> to vector<256x2048xf32>
    %swap3A_541 = arith.constant 1792 : index
    %swap3A_542 = arith.constant 0 : index
    %swap3A_543 = vector.load %arg6[%swap3A_541, %swap3A_542] : memref<2048x2048xf32, #tpu.memory_space<vmem>>, vector<256x2048xf32>
    tpu.vector_store %arg6[%swap3A_541, %swap3A_542], %convert_element_type3A_540 {strides = array<i32>} : memref<2048x2048xf32, #tpu.memory_space<vmem>>, vector<256x2048xf32>,
    %gt3A_544 = arith.constant 3.500000e-01 : f32
    %gt3A_545 = vector.broadcast %gt3A_544 : f32 to vector<1x2048xf32>
    %gt3A_546 = arith.cmpf ogt, %get3A_4, %gt3A_545 : vector<1x2048xf32>
    %iota3A_547 = tpu.iota {dimensions = array<i32: 1>} : vector<1x256xi32>
    %slice3A_548 = vector.extract_strided_slice %gt3A_546 {offsets = [0, 0], sizes = [1, 256], strides = [1, 1]} : vector<1x2048xi1> to vector<1x256xi1>
    %broadcast_in_dim3A_549 = arith.constant 0.000000e+00 : f32
    %broadcast_in_dim3A_550 = vector.broadcast %broadcast_in_dim3A_549 : f32 to vector<1x256xf32>
    %scan3A = arith.constant 0 : i32
    %scan3A_551 = arith.constant 256 : i32
    %scan3A_552 = arith.addi %scan3A, %scan3A_551 : i32
    %scan3A_553 = arith.constant 1 : i32
    %scan3A_554 = scf.for %scan3A_789 = %scan3A to %scan3A_552 step %scan3A_553 iter_args(%scan3A_790 = %broadcast_in_dim3A_550) -> (vector<1x256xf32>)  : i32 {
      %add3A_791 = arith.constant 0 : i32
      %add3A_792 = arith.addi %add3A_791, %scan3A_789 : i32
      %get3A_793 = arith.index_cast %add3A_792 : i32 to index
      %get3A_794 = arith.constant 0 : index
      %get3A_795 = vector.load %arg6[%get3A_793, %get3A_794] : memref<2048x2048xf32, #tpu.memory_space<vmem>>, vector<1x256xf32>
      %mul3A_796 = arith.mulf %get3A_795, %scan3A_790 : vector<1x256xf32>
      %reduce_sum3A = vector.shape_cast %mul3A_796 : vector<1x256xf32> to vector<1x1x256xf32>
      %reduce_sum3A_797 = arith.constant dense<0.000000e+00> : vector<1xf32>
      %reduce_sum3A_798 = vector.multi_reduction <add>, %reduce_sum3A, %reduce_sum3A_797 [1, 2] : vector<1x1x256xf32> to vector<1xf32>
      %reduce_sum3A_799 = vector.shape_cast %reduce_sum3A_798 : vector<1xf32> to vector<1x1x1xf32>
      %reduce_sum3A_800 = vector.extract %reduce_sum3A_799[0, 0, 0] : f32 from vector<1x1x1xf32>
      %eq3A_801 = vector.broadcast %scan3A_789 : i32 to vector<1x256xi32>
      %eq3A_802 = arith.cmpi eq, %iota3A_547, %eq3A_801 : vector<1x256xi32>
      %and3A_803 = arith.andi %eq3A_802, %slice3A_548 : vector<1x256xi1>
      %le3A_804 = arith.constant 0.000000e+00 : f32
      %le3A_805 = arith.cmpf ole, %reduce_sum3A_800, %le3A_804 : f32
      %and3A_806 = vector.broadcast %le3A_805 : i1 to vector<1x256xi1>
      %and3A_807 = arith.andi %and3A_803, %and3A_806 : vector<1x256xi1>
      %jit3A_808 = arith.constant 1.000000e+00 : f32
      %broadcast_in_dim3A_809 = vector.broadcast %jit3A_808 : f32 to vector<1x256xf32>
      %select_n3A = arith.select %and3A_807, %broadcast_in_dim3A_809, %scan3A_790 : vector<1x256xi1>, vector<1x256xf32>
      scf.yield %select_n3A : vector<1x256xf32>
    }
    %scan3A_555 = arith.constant 256 : i32
    %slice3A_556 = vector.extract_strided_slice %gt3A_546 {offsets = [0, 256], sizes = [1, 256], strides = [1, 1]} : vector<1x2048xi1> to vector<1x256xi1>
    %get3A_557 = arith.constant 256 : index
    %get3A_558 = arith.constant 0 : index
    %get3A_559 = vector.load %arg6[%get3A_557, %get3A_558] : memref<2048x2048xf32, #tpu.memory_space<vmem>>, vector<256x256xf32>
    %dot_general3A_560 = arith.constant dense<0.000000e+00> : vector<256x1xf32>
    %dot_general3A_561 = tpu.matmul %get3A_559, %scan3A_554, %dot_general3A_560 {dimension_numbers = #tpu.dot_dimension_numbers<[1], [1], [0], [0], [0, 0, 1, 0], [], []>, transpose_lhs_hint = false} : vector<256x256xf32>, vector<1x256xf32>, vector<256x1xf32> -> vector<256x1xf32>
    %dot_general3A_562 = arith.constant dense<0.000000e+00> : vector<1x256xf32>
    %dot_general3A_563 = tpu.matmul %dot_general3A_561, %convert_element_type3A_130, %dot_general3A_562 {dimension_numbers = #tpu.dot_dimension_numbers<[0], [0], [1], [1], [0, 1, 1, 1], [], []>, transpose_lhs_hint = false} : vector<256x1xf32>, vector<256x256xf32>, vector<1x256xf32> -> vector<1x256xf32>
    %le3A = arith.constant 0.000000e+00 : f32
    %le3A_564 = vector.broadcast %le3A : f32 to vector<1x256xf32>
    %le3A_565 = arith.cmpf ole, %dot_general3A_563, %le3A_564 : vector<1x256xf32>
    %and3A_566 = arith.andi %slice3A_556, %le3A_565 : vector<1x256xi1>
    %broadcast_in_dim3A_567 = arith.constant 0.000000e+00 : f32
    %broadcast_in_dim3A_568 = vector.broadcast %broadcast_in_dim3A_567 : f32 to vector<1x256xf32>
    %scan3A_569 = arith.constant 0 : i32
    %scan3A_570 = arith.constant 256 : i32
    %scan3A_571 = arith.addi %scan3A_569, %scan3A_570 : i32
    %scan3A_572 = arith.constant 1 : i32
    %scan3A_573 = scf.for %scan3A_789 = %scan3A_569 to %scan3A_571 step %scan3A_572 iter_args(%scan3A_790 = %broadcast_in_dim3A_568) -> (vector<1x256xf32>)  : i32 {
      %add3A_791 = arith.constant 256 : i32
      %add3A_792 = arith.addi %add3A_791, %scan3A_789 : i32
      %get3A_793 = arith.index_cast %add3A_792 : i32 to index
      %get3A_794 = arith.constant 256 : index
      %get3A_795 = vector.load %arg6[%get3A_793, %get3A_794] : memref<2048x2048xf32, #tpu.memory_space<vmem>>, vector<1x256xf32>
      %mul3A_796 = arith.mulf %get3A_795, %scan3A_790 : vector<1x256xf32>
      %reduce_sum3A = vector.shape_cast %mul3A_796 : vector<1x256xf32> to vector<1x1x256xf32>
      %reduce_sum3A_797 = arith.constant dense<0.000000e+00> : vector<1xf32>
      %reduce_sum3A_798 = vector.multi_reduction <add>, %reduce_sum3A, %reduce_sum3A_797 [1, 2] : vector<1x1x256xf32> to vector<1xf32>
      %reduce_sum3A_799 = vector.shape_cast %reduce_sum3A_798 : vector<1xf32> to vector<1x1x1xf32>
      %reduce_sum3A_800 = vector.extract %reduce_sum3A_799[0, 0, 0] : f32 from vector<1x1x1xf32>
      %eq3A_801 = vector.broadcast %scan3A_789 : i32 to vector<1x256xi32>
      %eq3A_802 = arith.cmpi eq, %iota3A_547, %eq3A_801 : vector<1x256xi32>
      %and3A_803 = arith.andi %eq3A_802, %and3A_566 : vector<1x256xi1>
      %le3A_804 = arith.constant 0.000000e+00 : f32
      %le3A_805 = arith.cmpf ole, %reduce_sum3A_800, %le3A_804 : f32
      %and3A_806 = vector.broadcast %le3A_805 : i1 to vector<1x256xi1>
      %and3A_807 = arith.andi %and3A_803, %and3A_806 : vector<1x256xi1>
      %jit3A_808 = arith.constant 1.000000e+00 : f32
      %broadcast_in_dim3A_809 = vector.broadcast %jit3A_808 : f32 to vector<1x256xf32>
      %select_n3A = arith.select %and3A_807, %broadcast_in_dim3A_809, %scan3A_790 : vector<1x256xi1>, vector<1x256xf32>
      scf.yield %select_n3A : vector<1x256xf32>
    }
    %scan3A_574 = arith.constant 256 : i32
    %slice3A_575 = vector.extract_strided_slice %gt3A_546 {offsets = [0, 512], sizes = [1, 256], strides = [1, 1]} : vector<1x2048xi1> to vector<1x256xi1>
    %concatenate3A = tpu.concatenate %scan3A_554, %scan3A_573 in 1 : vector<1x256xf32>, vector<1x256xf32> -> vector<1x512xf32>
    %get3A_576 = arith.constant 512 : index
    %get3A_577 = arith.constant 0 : index
    %get3A_578 = vector.load %arg6[%get3A_576, %get3A_577] : memref<2048x2048xf32, #tpu.memory_space<vmem>>, vector<256x512xf32>
    %dot_general3A_579 = arith.constant dense<0.000000e+00> : vector<256x1xf32>
    %dot_general3A_580 = tpu.matmul %get3A_578, %concatenate3A, %dot_general3A_579 {dimension_numbers = #tpu.dot_dimension_numbers<[1], [1], [0], [0], [0, 0, 1, 0], [], []>, transpose_lhs_hint = false} : vector<256x512xf32>, vector<1x512xf32>, vector<256x1xf32> -> vector<256x1xf32>
    %dot_general3A_581 = arith.constant dense<0.000000e+00> : vector<1x256xf32>
    %dot_general3A_582 = tpu.matmul %dot_general3A_580, %convert_element_type3A_130, %dot_general3A_581 {dimension_numbers = #tpu.dot_dimension_numbers<[0], [0], [1], [1], [0, 1, 1, 1], [], []>, transpose_lhs_hint = false} : vector<256x1xf32>, vector<256x256xf32>, vector<1x256xf32> -> vector<1x256xf32>
    %le3A_583 = arith.constant 0.000000e+00 : f32
    %le3A_584 = vector.broadcast %le3A_583 : f32 to vector<1x256xf32>
    %le3A_585 = arith.cmpf ole, %dot_general3A_582, %le3A_584 : vector<1x256xf32>
    %and3A_586 = arith.andi %slice3A_575, %le3A_585 : vector<1x256xi1>
    %broadcast_in_dim3A_587 = arith.constant 0.000000e+00 : f32
    %broadcast_in_dim3A_588 = vector.broadcast %broadcast_in_dim3A_587 : f32 to vector<1x256xf32>
    %scan3A_589 = arith.constant 0 : i32
    %scan3A_590 = arith.constant 256 : i32
    %scan3A_591 = arith.addi %scan3A_589, %scan3A_590 : i32
    %scan3A_592 = arith.constant 1 : i32
    %scan3A_593 = scf.for %scan3A_789 = %scan3A_589 to %scan3A_591 step %scan3A_592 iter_args(%scan3A_790 = %broadcast_in_dim3A_588) -> (vector<1x256xf32>)  : i32 {
      %add3A_791 = arith.constant 512 : i32
      %add3A_792 = arith.addi %add3A_791, %scan3A_789 : i32
      %get3A_793 = arith.index_cast %add3A_792 : i32 to index
      %get3A_794 = arith.constant 512 : index
      %get3A_795 = vector.load %arg6[%get3A_793, %get3A_794] : memref<2048x2048xf32, #tpu.memory_space<vmem>>, vector<1x256xf32>
      %mul3A_796 = arith.mulf %get3A_795, %scan3A_790 : vector<1x256xf32>
      %reduce_sum3A = vector.shape_cast %mul3A_796 : vector<1x256xf32> to vector<1x1x256xf32>
      %reduce_sum3A_797 = arith.constant dense<0.000000e+00> : vector<1xf32>
      %reduce_sum3A_798 = vector.multi_reduction <add>, %reduce_sum3A, %reduce_sum3A_797 [1, 2] : vector<1x1x256xf32> to vector<1xf32>
      %reduce_sum3A_799 = vector.shape_cast %reduce_sum3A_798 : vector<1xf32> to vector<1x1x1xf32>
      %reduce_sum3A_800 = vector.extract %reduce_sum3A_799[0, 0, 0] : f32 from vector<1x1x1xf32>
      %eq3A_801 = vector.broadcast %scan3A_789 : i32 to vector<1x256xi32>
      %eq3A_802 = arith.cmpi eq, %iota3A_547, %eq3A_801 : vector<1x256xi32>
      %and3A_803 = arith.andi %eq3A_802, %and3A_586 : vector<1x256xi1>
      %le3A_804 = arith.constant 0.000000e+00 : f32
      %le3A_805 = arith.cmpf ole, %reduce_sum3A_800, %le3A_804 : f32
      %and3A_806 = vector.broadcast %le3A_805 : i1 to vector<1x256xi1>
      %and3A_807 = arith.andi %and3A_803, %and3A_806 : vector<1x256xi1>
      %jit3A_808 = arith.constant 1.000000e+00 : f32
      %broadcast_in_dim3A_809 = vector.broadcast %jit3A_808 : f32 to vector<1x256xf32>
      %select_n3A = arith.select %and3A_807, %broadcast_in_dim3A_809, %scan3A_790 : vector<1x256xi1>, vector<1x256xf32>
      scf.yield %select_n3A : vector<1x256xf32>
    }
    %scan3A_594 = arith.constant 256 : i32
    %slice3A_595 = vector.extract_strided_slice %gt3A_546 {offsets = [0, 768], sizes = [1, 256], strides = [1, 1]} : vector<1x2048xi1> to vector<1x256xi1>
    %concatenate3A_596 = tpu.concatenate %scan3A_554, %scan3A_573, %scan3A_593 in 1 : vector<1x256xf32>, vector<1x256xf32>, vector<1x256xf32> -> vector<1x768xf32>
    %get3A_597 = arith.constant 768 : index
    %get3A_598 = arith.constant 0 : index
    %get3A_599 = vector.load %arg6[%get3A_597, %get3A_598] : memref<2048x2048xf32, #tpu.memory_space<vmem>>, vector<256x768xf32>
    %dot_general3A_600 = arith.constant dense<0.000000e+00> : vector<256x1xf32>
    %dot_general3A_601 = tpu.matmul %get3A_599, %concatenate3A_596, %dot_general3A_600 {dimension_numbers = #tpu.dot_dimension_numbers<[1], [1], [0], [0], [0, 0, 1, 0], [], []>, transpose_lhs_hint = false} : vector<256x768xf32>, vector<1x768xf32>, vector<256x1xf32> -> vector<256x1xf32>
    %dot_general3A_602 = arith.constant dense<0.000000e+00> : vector<1x256xf32>
    %dot_general3A_603 = tpu.matmul %dot_general3A_601, %convert_element_type3A_130, %dot_general3A_602 {dimension_numbers = #tpu.dot_dimension_numbers<[0], [0], [1], [1], [0, 1, 1, 1], [], []>, transpose_lhs_hint = false} : vector<256x1xf32>, vector<256x256xf32>, vector<1x256xf32> -> vector<1x256xf32>
    %le3A_604 = arith.constant 0.000000e+00 : f32
    %le3A_605 = vector.broadcast %le3A_604 : f32 to vector<1x256xf32>
    %le3A_606 = arith.cmpf ole, %dot_general3A_603, %le3A_605 : vector<1x256xf32>
    %and3A_607 = arith.andi %slice3A_595, %le3A_606 : vector<1x256xi1>
    %broadcast_in_dim3A_608 = arith.constant 0.000000e+00 : f32
    %broadcast_in_dim3A_609 = vector.broadcast %broadcast_in_dim3A_608 : f32 to vector<1x256xf32>
    %scan3A_610 = arith.constant 0 : i32
    %scan3A_611 = arith.constant 256 : i32
    %scan3A_612 = arith.addi %scan3A_610, %scan3A_611 : i32
    %scan3A_613 = arith.constant 1 : i32
    %scan3A_614 = scf.for %scan3A_789 = %scan3A_610 to %scan3A_612 step %scan3A_613 iter_args(%scan3A_790 = %broadcast_in_dim3A_609) -> (vector<1x256xf32>)  : i32 {
      %add3A_791 = arith.constant 768 : i32
      %add3A_792 = arith.addi %add3A_791, %scan3A_789 : i32
      %get3A_793 = arith.index_cast %add3A_792 : i32 to index
      %get3A_794 = arith.constant 768 : index
      %get3A_795 = vector.load %arg6[%get3A_793, %get3A_794] : memref<2048x2048xf32, #tpu.memory_space<vmem>>, vector<1x256xf32>
      %mul3A_796 = arith.mulf %get3A_795, %scan3A_790 : vector<1x256xf32>
      %reduce_sum3A = vector.shape_cast %mul3A_796 : vector<1x256xf32> to vector<1x1x256xf32>
      %reduce_sum3A_797 = arith.constant dense<0.000000e+00> : vector<1xf32>
      %reduce_sum3A_798 = vector.multi_reduction <add>, %reduce_sum3A, %reduce_sum3A_797 [1, 2] : vector<1x1x256xf32> to vector<1xf32>
      %reduce_sum3A_799 = vector.shape_cast %reduce_sum3A_798 : vector<1xf32> to vector<1x1x1xf32>
      %reduce_sum3A_800 = vector.extract %reduce_sum3A_799[0, 0, 0] : f32 from vector<1x1x1xf32>
      %eq3A_801 = vector.broadcast %scan3A_789 : i32 to vector<1x256xi32>
      %eq3A_802 = arith.cmpi eq, %iota3A_547, %eq3A_801 : vector<1x256xi32>
      %and3A_803 = arith.andi %eq3A_802, %and3A_607 : vector<1x256xi1>
      %le3A_804 = arith.constant 0.000000e+00 : f32
      %le3A_805 = arith.cmpf ole, %reduce_sum3A_800, %le3A_804 : f32
      %and3A_806 = vector.broadcast %le3A_805 : i1 to vector<1x256xi1>
      %and3A_807 = arith.andi %and3A_803, %and3A_806 : vector<1x256xi1>
      %jit3A_808 = arith.constant 1.000000e+00 : f32
      %broadcast_in_dim3A_809 = vector.broadcast %jit3A_808 : f32 to vector<1x256xf32>
      %select_n3A = arith.select %and3A_807, %broadcast_in_dim3A_809, %scan3A_790 : vector<1x256xi1>, vector<1x256xf32>
      scf.yield %select_n3A : vector<1x256xf32>
    }
    %scan3A_615 = arith.constant 256 : i32
    %slice3A_616 = vector.extract_strided_slice %gt3A_546 {offsets = [0, 1024], sizes = [1, 256], strides = [1, 1]} : vector<1x2048xi1> to vector<1x256xi1>
    %concatenate3A_617 = tpu.concatenate %scan3A_554, %scan3A_573, %scan3A_593, %scan3A_614 in 1 : vector<1x256xf32>, vector<1x256xf32>, vector<1x256xf32>, vector<1x256xf32> -> vector<1x1024xf32>
    %get3A_618 = arith.constant 1024 : index
    %get3A_619 = arith.constant 0 : index
    %get3A_620 = vector.load %arg6[%get3A_618, %get3A_619] : memref<2048x2048xf32, #tpu.memory_space<vmem>>, vector<256x1024xf32>
    %dot_general3A_621 = arith.constant dense<0.000000e+00> : vector<256x1xf32>
    %dot_general3A_622 = tpu.matmul %get3A_620, %concatenate3A_617, %dot_general3A_621 {dimension_numbers = #tpu.dot_dimension_numbers<[1], [1], [0], [0], [0, 0, 1, 0], [], []>, transpose_lhs_hint = false} : vector<256x1024xf32>, vector<1x1024xf32>, vector<256x1xf32> -> vector<256x1xf32>
    %dot_general3A_623 = arith.constant dense<0.000000e+00> : vector<1x256xf32>
    %dot_general3A_624 = tpu.matmul %dot_general3A_622, %convert_element_type3A_130, %dot_general3A_623 {dimension_numbers = #tpu.dot_dimension_numbers<[0], [0], [1], [1], [0, 1, 1, 1], [], []>, transpose_lhs_hint = false} : vector<256x1xf32>, vector<256x256xf32>, vector<1x256xf32> -> vector<1x256xf32>
    %le3A_625 = arith.constant 0.000000e+00 : f32
    %le3A_626 = vector.broadcast %le3A_625 : f32 to vector<1x256xf32>
    %le3A_627 = arith.cmpf ole, %dot_general3A_624, %le3A_626 : vector<1x256xf32>
    %and3A_628 = arith.andi %slice3A_616, %le3A_627 : vector<1x256xi1>
    %broadcast_in_dim3A_629 = arith.constant 0.000000e+00 : f32
    %broadcast_in_dim3A_630 = vector.broadcast %broadcast_in_dim3A_629 : f32 to vector<1x256xf32>
    %scan3A_631 = arith.constant 0 : i32
    %scan3A_632 = arith.constant 256 : i32
    %scan3A_633 = arith.addi %scan3A_631, %scan3A_632 : i32
    %scan3A_634 = arith.constant 1 : i32
    %scan3A_635 = scf.for %scan3A_789 = %scan3A_631 to %scan3A_633 step %scan3A_634 iter_args(%scan3A_790 = %broadcast_in_dim3A_630) -> (vector<1x256xf32>)  : i32 {
      %add3A_791 = arith.constant 1024 : i32
      %add3A_792 = arith.addi %add3A_791, %scan3A_789 : i32
      %get3A_793 = arith.index_cast %add3A_792 : i32 to index
      %get3A_794 = arith.constant 1024 : index
      %get3A_795 = vector.load %arg6[%get3A_793, %get3A_794] : memref<2048x2048xf32, #tpu.memory_space<vmem>>, vector<1x256xf32>
      %mul3A_796 = arith.mulf %get3A_795, %scan3A_790 : vector<1x256xf32>
      %reduce_sum3A = vector.shape_cast %mul3A_796 : vector<1x256xf32> to vector<1x1x256xf32>
      %reduce_sum3A_797 = arith.constant dense<0.000000e+00> : vector<1xf32>
      %reduce_sum3A_798 = vector.multi_reduction <add>, %reduce_sum3A, %reduce_sum3A_797 [1, 2] : vector<1x1x256xf32> to vector<1xf32>
      %reduce_sum3A_799 = vector.shape_cast %reduce_sum3A_798 : vector<1xf32> to vector<1x1x1xf32>
      %reduce_sum3A_800 = vector.extract %reduce_sum3A_799[0, 0, 0] : f32 from vector<1x1x1xf32>
      %eq3A_801 = vector.broadcast %scan3A_789 : i32 to vector<1x256xi32>
      %eq3A_802 = arith.cmpi eq, %iota3A_547, %eq3A_801 : vector<1x256xi32>
      %and3A_803 = arith.andi %eq3A_802, %and3A_628 : vector<1x256xi1>
      %le3A_804 = arith.constant 0.000000e+00 : f32
      %le3A_805 = arith.cmpf ole, %reduce_sum3A_800, %le3A_804 : f32
      %and3A_806 = vector.broadcast %le3A_805 : i1 to vector<1x256xi1>
      %and3A_807 = arith.andi %and3A_803, %and3A_806 : vector<1x256xi1>
      %jit3A_808 = arith.constant 1.000000e+00 : f32
      %broadcast_in_dim3A_809 = vector.broadcast %jit3A_808 : f32 to vector<1x256xf32>
      %select_n3A = arith.select %and3A_807, %broadcast_in_dim3A_809, %scan3A_790 : vector<1x256xi1>, vector<1x256xf32>
      scf.yield %select_n3A : vector<1x256xf32>
    }
    %scan3A_636 = arith.constant 256 : i32
    %slice3A_637 = vector.extract_strided_slice %gt3A_546 {offsets = [0, 1280], sizes = [1, 256], strides = [1, 1]} : vector<1x2048xi1> to vector<1x256xi1>
    %concatenate3A_638 = tpu.concatenate %scan3A_554, %scan3A_573, %scan3A_593, %scan3A_614, %scan3A_635 in 1 : vector<1x256xf32>, vector<1x256xf32>, vector<1x256xf32>, vector<1x256xf32>, vector<1x256xf32> -> vector<1x1280xf32>
    %get3A_639 = arith.constant 1280 : index
    %get3A_640 = arith.constant 0 : index
    %get3A_641 = vector.load %arg6[%get3A_639, %get3A_640] : memref<2048x2048xf32, #tpu.memory_space<vmem>>, vector<256x1280xf32>
    %dot_general3A_642 = arith.constant dense<0.000000e+00> : vector<256x1xf32>
    %dot_general3A_643 = tpu.matmul %get3A_641, %concatenate3A_638, %dot_general3A_642 {dimension_numbers = #tpu.dot_dimension_numbers<[1], [1], [0], [0], [0, 0, 1, 0], [], []>, transpose_lhs_hint = false} : vector<256x1280xf32>, vector<1x1280xf32>, vector<256x1xf32> -> vector<256x1xf32>
    %dot_general3A_644 = arith.constant dense<0.000000e+00> : vector<1x256xf32>
    %dot_general3A_645 = tpu.matmul %dot_general3A_643, %convert_element_type3A_130, %dot_general3A_644 {dimension_numbers = #tpu.dot_dimension_numbers<[0], [0], [1], [1], [0, 1, 1, 1], [], []>, transpose_lhs_hint = false} : vector<256x1xf32>, vector<256x256xf32>, vector<1x256xf32> -> vector<1x256xf32>
    %le3A_646 = arith.constant 0.000000e+00 : f32
    %le3A_647 = vector.broadcast %le3A_646 : f32 to vector<1x256xf32>
    %le3A_648 = arith.cmpf ole, %dot_general3A_645, %le3A_647 : vector<1x256xf32>
    %and3A_649 = arith.andi %slice3A_637, %le3A_648 : vector<1x256xi1>
    %broadcast_in_dim3A_650 = arith.constant 0.000000e+00 : f32
    %broadcast_in_dim3A_651 = vector.broadcast %broadcast_in_dim3A_650 : f32 to vector<1x256xf32>
    %scan3A_652 = arith.constant 0 : i32
    %scan3A_653 = arith.constant 256 : i32
    %scan3A_654 = arith.addi %scan3A_652, %scan3A_653 : i32
    %scan3A_655 = arith.constant 1 : i32
    %scan3A_656 = scf.for %scan3A_789 = %scan3A_652 to %scan3A_654 step %scan3A_655 iter_args(%scan3A_790 = %broadcast_in_dim3A_651) -> (vector<1x256xf32>)  : i32 {
      %add3A_791 = arith.constant 1280 : i32
      %add3A_792 = arith.addi %add3A_791, %scan3A_789 : i32
      %get3A_793 = arith.index_cast %add3A_792 : i32 to index
      %get3A_794 = arith.constant 1280 : index
      %get3A_795 = vector.load %arg6[%get3A_793, %get3A_794] : memref<2048x2048xf32, #tpu.memory_space<vmem>>, vector<1x256xf32>
      %mul3A_796 = arith.mulf %get3A_795, %scan3A_790 : vector<1x256xf32>
      %reduce_sum3A = vector.shape_cast %mul3A_796 : vector<1x256xf32> to vector<1x1x256xf32>
      %reduce_sum3A_797 = arith.constant dense<0.000000e+00> : vector<1xf32>
      %reduce_sum3A_798 = vector.multi_reduction <add>, %reduce_sum3A, %reduce_sum3A_797 [1, 2] : vector<1x1x256xf32> to vector<1xf32>
      %reduce_sum3A_799 = vector.shape_cast %reduce_sum3A_798 : vector<1xf32> to vector<1x1x1xf32>
      %reduce_sum3A_800 = vector.extract %reduce_sum3A_799[0, 0, 0] : f32 from vector<1x1x1xf32>
      %eq3A_801 = vector.broadcast %scan3A_789 : i32 to vector<1x256xi32>
      %eq3A_802 = arith.cmpi eq, %iota3A_547, %eq3A_801 : vector<1x256xi32>
      %and3A_803 = arith.andi %eq3A_802, %and3A_649 : vector<1x256xi1>
      %le3A_804 = arith.constant 0.000000e+00 : f32
      %le3A_805 = arith.cmpf ole, %reduce_sum3A_800, %le3A_804 : f32
      %and3A_806 = vector.broadcast %le3A_805 : i1 to vector<1x256xi1>
      %and3A_807 = arith.andi %and3A_803, %and3A_806 : vector<1x256xi1>
      %jit3A_808 = arith.constant 1.000000e+00 : f32
      %broadcast_in_dim3A_809 = vector.broadcast %jit3A_808 : f32 to vector<1x256xf32>
      %select_n3A = arith.select %and3A_807, %broadcast_in_dim3A_809, %scan3A_790 : vector<1x256xi1>, vector<1x256xf32>
      scf.yield %select_n3A : vector<1x256xf32>
    }
    %scan3A_657 = arith.constant 256 : i32
    %slice3A_658 = vector.extract_strided_slice %gt3A_546 {offsets = [0, 1536], sizes = [1, 256], strides = [1, 1]} : vector<1x2048xi1> to vector<1x256xi1>
    %concatenate3A_659 = tpu.concatenate %scan3A_554, %scan3A_573, %scan3A_593, %scan3A_614, %scan3A_635, %scan3A_656 in 1 : vector<1x256xf32>, vector<1x256xf32>, vector<1x256xf32>, vector<1x256xf32>, vector<1x256xf32>, vector<1x256xf32> -> vector<1x1536xf32>
    %get3A_660 = arith.constant 1536 : index
    %get3A_661 = arith.constant 0 : index
    %get3A_662 = vector.load %arg6[%get3A_660, %get3A_661] : memref<2048x2048xf32, #tpu.memory_space<vmem>>, vector<256x1536xf32>
    %dot_general3A_663 = arith.constant dense<0.000000e+00> : vector<256x1xf32>
    %dot_general3A_664 = tpu.matmul %get3A_662, %concatenate3A_659, %dot_general3A_663 {dimension_numbers = #tpu.dot_dimension_numbers<[1], [1], [0], [0], [0, 0, 1, 0], [], []>, transpose_lhs_hint = false} : vector<256x1536xf32>, vector<1x1536xf32>, vector<256x1xf32> -> vector<256x1xf32>
    %dot_general3A_665 = arith.constant dense<0.000000e+00> : vector<1x256xf32>
    %dot_general3A_666 = tpu.matmul %dot_general3A_664, %convert_element_type3A_130, %dot_general3A_665 {dimension_numbers = #tpu.dot_dimension_numbers<[0], [0], [1], [1], [0, 1, 1, 1], [], []>, transpose_lhs_hint = false} : vector<256x1xf32>, vector<256x256xf32>, vector<1x256xf32> -> vector<1x256xf32>
    %le3A_667 = arith.constant 0.000000e+00 : f32
    %le3A_668 = vector.broadcast %le3A_667 : f32 to vector<1x256xf32>
    %le3A_669 = arith.cmpf ole, %dot_general3A_666, %le3A_668 : vector<1x256xf32>
    %and3A_670 = arith.andi %slice3A_658, %le3A_669 : vector<1x256xi1>
    %broadcast_in_dim3A_671 = arith.constant 0.000000e+00 : f32
    %broadcast_in_dim3A_672 = vector.broadcast %broadcast_in_dim3A_671 : f32 to vector<1x256xf32>
    %scan3A_673 = arith.constant 0 : i32
    %scan3A_674 = arith.constant 256 : i32
    %scan3A_675 = arith.addi %scan3A_673, %scan3A_674 : i32
    %scan3A_676 = arith.constant 1 : i32
    %scan3A_677 = scf.for %scan3A_789 = %scan3A_673 to %scan3A_675 step %scan3A_676 iter_args(%scan3A_790 = %broadcast_in_dim3A_672) -> (vector<1x256xf32>)  : i32 {
      %add3A_791 = arith.constant 1536 : i32
      %add3A_792 = arith.addi %add3A_791, %scan3A_789 : i32
      %get3A_793 = arith.index_cast %add3A_792 : i32 to index
      %get3A_794 = arith.constant 1536 : index
      %get3A_795 = vector.load %arg6[%get3A_793, %get3A_794] : memref<2048x2048xf32, #tpu.memory_space<vmem>>, vector<1x256xf32>
      %mul3A_796 = arith.mulf %get3A_795, %scan3A_790 : vector<1x256xf32>
      %reduce_sum3A = vector.shape_cast %mul3A_796 : vector<1x256xf32> to vector<1x1x256xf32>
      %reduce_sum3A_797 = arith.constant dense<0.000000e+00> : vector<1xf32>
      %reduce_sum3A_798 = vector.multi_reduction <add>, %reduce_sum3A, %reduce_sum3A_797 [1, 2] : vector<1x1x256xf32> to vector<1xf32>
      %reduce_sum3A_799 = vector.shape_cast %reduce_sum3A_798 : vector<1xf32> to vector<1x1x1xf32>
      %reduce_sum3A_800 = vector.extract %reduce_sum3A_799[0, 0, 0] : f32 from vector<1x1x1xf32>
      %eq3A_801 = vector.broadcast %scan3A_789 : i32 to vector<1x256xi32>
      %eq3A_802 = arith.cmpi eq, %iota3A_547, %eq3A_801 : vector<1x256xi32>
      %and3A_803 = arith.andi %eq3A_802, %and3A_670 : vector<1x256xi1>
      %le3A_804 = arith.constant 0.000000e+00 : f32
      %le3A_805 = arith.cmpf ole, %reduce_sum3A_800, %le3A_804 : f32
      %and3A_806 = vector.broadcast %le3A_805 : i1 to vector<1x256xi1>
      %and3A_807 = arith.andi %and3A_803, %and3A_806 : vector<1x256xi1>
      %jit3A_808 = arith.constant 1.000000e+00 : f32
      %broadcast_in_dim3A_809 = vector.broadcast %jit3A_808 : f32 to vector<1x256xf32>
      %select_n3A = arith.select %and3A_807, %broadcast_in_dim3A_809, %scan3A_790 : vector<1x256xi1>, vector<1x256xf32>
      scf.yield %select_n3A : vector<1x256xf32>
    }
    %scan3A_678 = arith.constant 256 : i32
    %slice3A_679 = vector.extract_strided_slice %gt3A_546 {offsets = [0, 1792], sizes = [1, 256], strides = [1, 1]} : vector<1x2048xi1> to vector<1x256xi1>
    %concatenate3A_680 = tpu.concatenate %scan3A_554, %scan3A_573, %scan3A_593, %scan3A_614, %scan3A_635, %scan3A_656, %scan3A_677 in 1 : vector<1x256xf32>, vector<1x256xf32>, vector<1x256xf32>, vector<1x256xf32>, vector<1x256xf32>, vector<1x256xf32>, vector<1x256xf32> -> vector<1x1792xf32>
    %get3A_681 = arith.constant 1792 : index
    %get3A_682 = arith.constant 0 : index
    %get3A_683 = vector.load %arg6[%get3A_681, %get3A_682] : memref<2048x2048xf32, #tpu.memory_space<vmem>>, vector<256x1792xf32>
    %dot_general3A_684 = arith.constant dense<0.000000e+00> : vector<256x1xf32>
    %dot_general3A_685 = tpu.matmul %get3A_683, %concatenate3A_680, %dot_general3A_684 {dimension_numbers = #tpu.dot_dimension_numbers<[1], [1], [0], [0], [0, 0, 1, 0], [], []>, transpose_lhs_hint = false} : vector<256x1792xf32>, vector<1x1792xf32>, vector<256x1xf32> -> vector<256x1xf32>
    %dot_general3A_686 = arith.constant dense<0.000000e+00> : vector<1x256xf32>
    %dot_general3A_687 = tpu.matmul %dot_general3A_685, %convert_element_type3A_130, %dot_general3A_686 {dimension_numbers = #tpu.dot_dimension_numbers<[0], [0], [1], [1], [0, 1, 1, 1], [], []>, transpose_lhs_hint = false} : vector<256x1xf32>, vector<256x256xf32>, vector<1x256xf32> -> vector<1x256xf32>
    %le3A_688 = arith.constant 0.000000e+00 : f32
    %le3A_689 = vector.broadcast %le3A_688 : f32 to vector<1x256xf32>
    %le3A_690 = arith.cmpf ole, %dot_general3A_687, %le3A_689 : vector<1x256xf32>
    %and3A_691 = arith.andi %slice3A_679, %le3A_690 : vector<1x256xi1>
    %broadcast_in_dim3A_692 = arith.constant 0.000000e+00 : f32
    %broadcast_in_dim3A_693 = vector.broadcast %broadcast_in_dim3A_692 : f32 to vector<1x256xf32>
    %scan3A_694 = arith.constant 0 : i32
    %scan3A_695 = arith.constant 256 : i32
    %scan3A_696 = arith.addi %scan3A_694, %scan3A_695 : i32
    %scan3A_697 = arith.constant 1 : i32
    %scan3A_698 = scf.for %scan3A_789 = %scan3A_694 to %scan3A_696 step %scan3A_697 iter_args(%scan3A_790 = %broadcast_in_dim3A_693) -> (vector<1x256xf32>)  : i32 {
      %add3A_791 = arith.constant 1792 : i32
      %add3A_792 = arith.addi %add3A_791, %scan3A_789 : i32
      %get3A_793 = arith.index_cast %add3A_792 : i32 to index
      %get3A_794 = arith.constant 1792 : index
      %get3A_795 = vector.load %arg6[%get3A_793, %get3A_794] : memref<2048x2048xf32, #tpu.memory_space<vmem>>, vector<1x256xf32>
      %mul3A_796 = arith.mulf %get3A_795, %scan3A_790 : vector<1x256xf32>
      %reduce_sum3A = vector.shape_cast %mul3A_796 : vector<1x256xf32> to vector<1x1x256xf32>
      %reduce_sum3A_797 = arith.constant dense<0.000000e+00> : vector<1xf32>
      %reduce_sum3A_798 = vector.multi_reduction <add>, %reduce_sum3A, %reduce_sum3A_797 [1, 2] : vector<1x1x256xf32> to vector<1xf32>
      %reduce_sum3A_799 = vector.shape_cast %reduce_sum3A_798 : vector<1xf32> to vector<1x1x1xf32>
      %reduce_sum3A_800 = vector.extract %reduce_sum3A_799[0, 0, 0] : f32 from vector<1x1x1xf32>
      %eq3A_801 = vector.broadcast %scan3A_789 : i32 to vector<1x256xi32>
      %eq3A_802 = arith.cmpi eq, %iota3A_547, %eq3A_801 : vector<1x256xi32>
      %and3A_803 = arith.andi %eq3A_802, %and3A_691 : vector<1x256xi1>
      %le3A_804 = arith.constant 0.000000e+00 : f32
      %le3A_805 = arith.cmpf ole, %reduce_sum3A_800, %le3A_804 : f32
      %and3A_806 = vector.broadcast %le3A_805 : i1 to vector<1x256xi1>
      %and3A_807 = arith.andi %and3A_803, %and3A_806 : vector<1x256xi1>
      %jit3A_808 = arith.constant 1.000000e+00 : f32
      %broadcast_in_dim3A_809 = vector.broadcast %jit3A_808 : f32 to vector<1x256xf32>
      %select_n3A = arith.select %and3A_807, %broadcast_in_dim3A_809, %scan3A_790 : vector<1x256xi1>, vector<1x256xf32>
      scf.yield %select_n3A : vector<1x256xf32>
    }
    %scan3A_699 = arith.constant 256 : i32
    %concatenate3A_700 = tpu.concatenate %scan3A_554, %scan3A_573, %scan3A_593, %scan3A_614, %scan3A_635, %scan3A_656, %scan3A_677, %scan3A_698 in 1 : vector<1x256xf32>, vector<1x256xf32>, vector<1x256xf32>, vector<1x256xf32>, vector<1x256xf32>, vector<1x256xf32>, vector<1x256xf32>, vector<1x256xf32> -> vector<1x2048xf32>
    %round3A = math.roundeven %add3A_67 : vector<1x2048xf32>
    %sub3A_701 = arith.constant 1.000000e+00 : f32
    %sub3A_702 = vector.broadcast %sub3A_701 : f32 to vector<1x1xf32>
    %sub3A_703 = arith.subf %get3A_22, %sub3A_702 : vector<1x1xf32>
    %jit3A_704 = arith.constant 0.000000e+00 : f32
    %max3A_705 = vector.broadcast %jit3A_704 : f32 to vector<1x2048xf32>
    %max3A_706 = arith.maximumf %max3A_705, %round3A : vector<1x2048xf32>
    %min3A_707 = vector.broadcast %sub3A_703 : vector<1x1xf32> to vector<1x2048xf32>
    %min3A_708 = arith.minimumf %min3A_707, %max3A_706 : vector<1x2048xf32>
    %round3A_709 = math.roundeven %add3A_73 : vector<1x2048xf32>
    %sub3A_710 = arith.constant 1.000000e+00 : f32
    %sub3A_711 = vector.broadcast %sub3A_710 : f32 to vector<1x1xf32>
    %sub3A_712 = arith.subf %get3A_25, %sub3A_711 : vector<1x1xf32>
    %jit3A_713 = arith.constant 0.000000e+00 : f32
    %max3A_714 = vector.broadcast %jit3A_713 : f32 to vector<1x2048xf32>
    %max3A_715 = arith.maximumf %max3A_714, %round3A_709 : vector<1x2048xf32>
    %min3A_716 = vector.broadcast %sub3A_712 : vector<1x1xf32> to vector<1x2048xf32>
    %min3A_717 = arith.minimumf %min3A_716, %max3A_715 : vector<1x2048xf32>
    %round3A_718 = math.roundeven %add3A_79 : vector<1x2048xf32>
    %sub3A_719 = arith.constant 1.000000e+00 : f32
    %sub3A_720 = vector.broadcast %sub3A_719 : f32 to vector<1x1xf32>
    %sub3A_721 = arith.subf %get3A_22, %sub3A_720 : vector<1x1xf32>
    %jit3A_722 = arith.constant 0.000000e+00 : f32
    %max3A_723 = vector.broadcast %jit3A_722 : f32 to vector<1x2048xf32>
    %max3A_724 = arith.maximumf %max3A_723, %round3A_718 : vector<1x2048xf32>
    %min3A_725 = vector.broadcast %sub3A_721 : vector<1x1xf32> to vector<1x2048xf32>
    %min3A_726 = arith.minimumf %min3A_725, %max3A_724 : vector<1x2048xf32>
    %round3A_727 = math.roundeven %add3A_85 : vector<1x2048xf32>
    %sub3A_728 = arith.constant 1.000000e+00 : f32
    %sub3A_729 = vector.broadcast %sub3A_728 : f32 to vector<1x1xf32>
    %sub3A_730 = arith.subf %get3A_25, %sub3A_729 : vector<1x1xf32>
    %jit3A_731 = arith.constant 0.000000e+00 : f32
    %max3A_732 = vector.broadcast %jit3A_731 : f32 to vector<1x2048xf32>
    %max3A_733 = arith.maximumf %max3A_732, %round3A_727 : vector<1x2048xf32>
    %min3A_734 = vector.broadcast %sub3A_730 : vector<1x1xf32> to vector<1x2048xf32>
    %min3A_735 = arith.minimumf %min3A_734, %max3A_733 : vector<1x2048xf32>
    %round3A_736 = math.roundeven %add3A_91 : vector<1x2048xf32>
    %sub3A_737 = arith.constant 1.000000e+00 : f32
    %sub3A_738 = vector.broadcast %sub3A_737 : f32 to vector<1x1xf32>
    %sub3A_739 = arith.subf %get3A_22, %sub3A_738 : vector<1x1xf32>
    %jit3A_740 = arith.constant 0.000000e+00 : f32
    %max3A_741 = vector.broadcast %jit3A_740 : f32 to vector<1x2048xf32>
    %max3A_742 = arith.maximumf %max3A_741, %round3A_736 : vector<1x2048xf32>
    %min3A_743 = vector.broadcast %sub3A_739 : vector<1x1xf32> to vector<1x2048xf32>
    %min3A_744 = arith.minimumf %min3A_743, %max3A_742 : vector<1x2048xf32>
    %round3A_745 = math.roundeven %add3A_97 : vector<1x2048xf32>
    %sub3A_746 = arith.constant 1.000000e+00 : f32
    %sub3A_747 = vector.broadcast %sub3A_746 : f32 to vector<1x1xf32>
    %sub3A_748 = arith.subf %get3A_25, %sub3A_747 : vector<1x1xf32>
    %jit3A_749 = arith.constant 0.000000e+00 : f32
    %max3A_750 = vector.broadcast %jit3A_749 : f32 to vector<1x2048xf32>
    %max3A_751 = arith.maximumf %max3A_750, %round3A_745 : vector<1x2048xf32>
    %min3A_752 = vector.broadcast %sub3A_748 : vector<1x1xf32> to vector<1x2048xf32>
    %min3A_753 = arith.minimumf %min3A_752, %max3A_751 : vector<1x2048xf32>
    %round3A_754 = math.roundeven %add3A_103 : vector<1x2048xf32>
    %sub3A_755 = arith.constant 1.000000e+00 : f32
    %sub3A_756 = vector.broadcast %sub3A_755 : f32 to vector<1x1xf32>
    %sub3A_757 = arith.subf %get3A_22, %sub3A_756 : vector<1x1xf32>
    %jit3A_758 = arith.constant 0.000000e+00 : f32
    %max3A_759 = vector.broadcast %jit3A_758 : f32 to vector<1x2048xf32>
    %max3A_760 = arith.maximumf %max3A_759, %round3A_754 : vector<1x2048xf32>
    %min3A_761 = vector.broadcast %sub3A_757 : vector<1x1xf32> to vector<1x2048xf32>
    %min3A_762 = arith.minimumf %min3A_761, %max3A_760 : vector<1x2048xf32>
    %round3A_763 = math.roundeven %add3A_109 : vector<1x2048xf32>
    %sub3A_764 = arith.constant 1.000000e+00 : f32
    %sub3A_765 = vector.broadcast %sub3A_764 : f32 to vector<1x1xf32>
    %sub3A_766 = arith.subf %get3A_25, %sub3A_765 : vector<1x1xf32>
    %jit3A_767 = arith.constant 0.000000e+00 : f32
    %max3A_768 = vector.broadcast %jit3A_767 : f32 to vector<1x2048xf32>
    %max3A_769 = arith.maximumf %max3A_768, %round3A_763 : vector<1x2048xf32>
    %min3A_770 = vector.broadcast %sub3A_766 : vector<1x1xf32> to vector<1x2048xf32>
    %min3A_771 = arith.minimumf %min3A_770, %max3A_769 : vector<1x2048xf32>
    %broadcast_in_dim3A_772 = arith.constant 0.000000e+00 : f32
    %broadcast_in_dim3A_773 = vector.broadcast %broadcast_in_dim3A_772 : f32 to vector<7x2048xf32>
    %concatenate3A_774 = tpu.concatenate %min3A_708, %min3A_717, %min3A_726, %min3A_735, %min3A_744, %min3A_753, %min3A_762, %min3A_771, %get3A_4, %broadcast_in_dim3A_773 in 0 : vector<1x2048xf32>, vector<1x2048xf32>, vector<1x2048xf32>, vector<1x2048xf32>, vector<1x2048xf32>, vector<1x2048xf32>, vector<1x2048xf32>, vector<1x2048xf32>, vector<1x2048xf32>, vector<7x2048xf32> -> vector<16x2048xf32>
    %mul3A_775 = vector.broadcast %concatenate3A_700 : vector<1x2048xf32> to vector<16x2048xf32>
    %mul3A_776 = arith.mulf %concatenate3A_774, %mul3A_775 : vector<16x2048xf32>
    %swap3A_777 = arith.constant 0 : index
    %swap3A_778 = arith.constant 0 : index
    %swap3A_779 = vector.load %arg4[%swap3A_777, %swap3A_778] : memref<16x2048xf32, #tpu.memory_space<vmem>>, vector<16x2048xf32>
    tpu.vector_store %arg4[%swap3A_777, %swap3A_778], %mul3A_776 {strides = array<i32>} : memref<16x2048xf32, #tpu.memory_space<vmem>>, vector<16x2048xf32>,
    %slice3A_780 = vector.extract_strided_slice %get3A_7 {offsets = [4, 0], sizes = [68, 2048], strides = [1, 1]} : vector<128x2048xf32> to vector<68x2048xf32>
    %mul3A_781 = vector.broadcast %concatenate3A_700 : vector<1x2048xf32> to vector<68x2048xf32>
    %mul3A_782 = arith.mulf %slice3A_780, %mul3A_781 : vector<68x2048xf32>
    %broadcast_in_dim3A_783 = arith.constant 0.000000e+00 : f32
    %broadcast_in_dim3A_784 = vector.broadcast %broadcast_in_dim3A_783 : f32 to vector<4x2048xf32>
    %concatenate3A_785 = tpu.concatenate %mul3A_782, %broadcast_in_dim3A_784 in 0 : vector<68x2048xf32>, vector<4x2048xf32> -> vector<72x2048xf32>
    %swap3A_786 = arith.constant 0 : index
    %swap3A_787 = arith.constant 0 : index
    %swap3A_788 = vector.load %arg5[%swap3A_786, %swap3A_787] : memref<72x2048xf32, #tpu.memory_space<vmem>>, vector<72x2048xf32>
    tpu.vector_store %arg5[%swap3A_786, %swap3A_787], %concatenate3A_785 {strides = array<i32>} : memref<72x2048xf32, #tpu.memory_space<vmem>>, vector<72x2048xf32>,
    return
  }
}

</mosaic_0001>

<sc_bundles>
// kernel: kernel.10.cloned.1.call-start
scs
__scs_entry_jumppad:
0x0: {  	(pc) =	sbr.rel $0x88, $3  }
0x1: {  	(tag) =	ssettag $0x0;
	lr =	simm.s32 $0x1  }
0x2: {  	[smem:$0x3F97] =	sst lr;
	_ =	strace $0xD0000000  }
0x3: {  	_ = 	snop  }
0x4: {  	_ = 	snop  }
0x5: {  	_ = 	snop  }
0x6: {  	_ = 	snop  }
0x7: {  	_ = 	snop  }
__scs_overlays_trampoline_lowered:
0x8: {  	[smem:$0x3FA6] =	sst s0  }
0x9: {  	[smem:$0x3FA7] =	sst s1  }
0xa: {  	[smem:$0x3FA8] =	sst s2  }
0xb: {  	[smem:$0x3FA9] =	sst s3  }
0xc: {  	[smem:$0x3FAA] =	sst s4  }
0xd: {  	[smem:$0x3FAB] =	sst s5  }
0xe: {  	[smem:$0x3FAC] =	sst s6  }
0xf: {  	[smem:$0x3FAD] =	sst s7  }
0x10: {  	[smem:$0x3FAE] =	sst s8  }
0x11: {  	[smem:$0x3FAF] =	sst s9;
	s0 =	simm.s32 @!p0 $0x0  }
0x12: {  	s1 =	sld [smem:$0x3F95];
	s0 =	simm.s32 @p0 $0x1  }
0x13: {  	[smem:$0x3FB0] =	sst s0;
	s0 =	simm.s32 @!p1 $0x0  }
0x14: {  	s2 =	sld [smem:$0x3F94];
	s0 =	simm.s32 @p1 $0x1  }
0x15: {  	[smem:$0x3FB1] =	sst s0;
	s0 =	simm.s32 @!p2 $0x0  }
0x16: {  	s3 =	sld [smem:$0x3FDB];
	s0 =	simm.s32 @p2 $0x1  }
0x17: {  	s4 =	simm.s32 $0x1BF5;
	[smem:$0x3FB3] =	sst s0  }
0x18: {  	s0 =	sld [smem:$0x3F96];
	_ =	swait.ge [sflag:s4], $0x0  }
0x19: {  	s7 =	sld [smem:$0x3F97]  }
0x1a: {  	s8 =	sadd.s32 $0xFFFFE003, lr  }
0x1b: {  	s9 =	sadd.s32 $0xFFFFFEF7, lr;
	s5 =	simm.s32 $0xFFFFFFFF;
	p2 =	slt.u32 s8, $0xFFFFF086  }
0x1c: {  	p1 =	slt.u32 s9, $0xF7A;
	s5 =	simm.s32 @!p2 $0x0  }
0x1d: {  	s5 =	simm.s32 @p1 $0x1;
	p0 =	seq.s32 s7, s2  }
0x1e: {  	s7 =	smul.u32 @!p0 $0xF7A, s2;
	p2 =	seq.s32 @!p0 s5, $0x0  }
0x1f: {  	s9 =	smul.u32 $0xF7A, s1;
	s8 =	simm.s32 @!p0 $0x1BF5;
	p2 =	por !p2, p0  }
0x20: {  	[sflag:s8] =	ssyncset.s32 @!p0 $0xFFFFF086;
	s6 =	sadd.s32 @!p0 s3, s7;
	s7 =	simm.s32 @!p0 $0x108  }
0x21: {  	s3 =	sadd.s32 s3, s9;
	s6 =	sadd.s32 @!p0 $0x88, s6;
	s7 =	simm.s32 @p2 $0x1082  }
0x22: {  	[simem:s7], [sflag:s8] =	dma.local @!p0 [hbm:s6], $0xF7A  }
0x23: {  	s9 =	sor.u32 $0xD0000000, s2;
	s6 =	simm.s32 $0x108;
	_ =	swait.ge @!p0 [sflag:s8], $0x0  }
0x24: {  	s3 =	sadd.s32 $0x88, s3;
	s6 =	simm.s32 @!p1 $0x1082;
	[sflag:s4] =	ssyncset.s32 $0xFFFFF086  }
0x25: {  	[simem:s6], [sflag:s4] =	dma.local [hbm:s3], $0xF7A  }
0x26: {  	[smem:$0x3F97] =	sst s1;
	(tag) =	ssettag s2;
	_ =	strace s9  }
0x27: {  	s1 =	sld [smem:$0x3FA7]  }
0x28: {  	s2 =	sld [smem:$0x3FA8]  }
0x29: {  	s4 =	sld [smem:$0x3FAA]  }
0x2a: {  	p0 =	seq.s32 s5, $0x0;
	s5 =	sld [smem:$0x3FAB]  }
0x2b: {  	s6 =	sld [smem:$0x3FAC]  }
0x2c: {  	s7 =	sld [smem:$0x3FAD]  }
0x2d: {  	s3 =	simm.s32 $0x108;
	s8 =	sld [smem:$0x3FAE]  }
0x2e: {  	s3 =	simm.s32 @!p0 $0x1082;
	s9 =	sld [smem:$0x3FAF]  }
0x2f: {  	lr =	sadd.s32 s0, s3;
	s0 =	sld [smem:$0x3FA6]  }
0x30: {  	s3 =	sld [smem:$0x3FA9]  }
0x31: {  	[smem:$0x3FB2] =	sst s10  }
0x32: {  	s10 =	sld [smem:$0x3FB0];
	_ =	sdelay $0x3  }
0x33: {  	p0 =	seq.s32 s10, $0x1;
	s10 =	sld [smem:$0x3FB2];
	_ =	sdelay $0x3  }
0x34: {  	[smem:$0x3FB2] =	sst s10  }
0x35: {  	s10 =	sld [smem:$0x3FB1];
	_ =	sdelay $0x3  }
0x36: {  	p1 =	seq.s32 s10, $0x1;
	s10 =	sld [smem:$0x3FB2];
	_ =	sdelay $0x3  }
0x37: {  	[smem:$0x3FB2] =	sst s10  }
0x38: {  	s10 =	sld [smem:$0x3FB3]  }
0x39: {  	_ = 	snop;
	(pc) =	sbr.ind lr, $3  }
0x3a: {  	_ = 	snop  }
0x3b: {  	_ = 	snop  }
0x3c: {  	p2 =	seq.s32 s10, $0x1;
	s10 =	sld [smem:$0x3FB2]  }
0x3d: {  	_ =	shalt  }
0x3e: {  	_ =	shalt  }
0x3f: {  	_ =	shalt  }
0x40: {  	_ =	shalt  }
0x41: {  	_ =	shalt  }
0x42: {  	_ =	shalt  }
0x43: {  	_ =	shalt  }
0x44: {  	_ =	shalt  }
0x45: {  	_ =	shalt  }
0x46: {  	_ =	shalt  }
0x47: {  	_ =	shalt  }
0x48: {  	_ =	shalt  }
0x49: {  	_ =	shalt  }
0x4a: {  	_ =	shalt  }
0x4b: {  	_ =	shalt  }
0x4c: {  	_ =	shalt  }
0x4d: {  	_ =	shalt  }
0x4e: {  	_ =	shalt  }
0x4f: {  	_ =	shalt  }
0x50: {  	_ =	shalt  }
0x51: {  	_ =	shalt  }
0x52: {  	_ =	shalt  }
0x53: {  	_ =	shalt  }
0x54: {  	_ =	shalt  }
0x55: {  	_ =	shalt  }
0x56: {  	_ =	shalt  }
0x57: {  	_ =	shalt  }
0x58: {  	_ =	shalt  }
0x59: {  	_ =	shalt  }
0x5a: {  	_ =	shalt  }
0x5b: {  	_ =	shalt  }
0x5c: {  	_ =	shalt  }
0x5d: {  	_ =	shalt  }
0x5e: {  	_ =	shalt  }
0x5f: {  	_ =	shalt  }
0x60: {  	_ =	shalt  }
0x61: {  	_ =	shalt  }
0x62: {  	_ =	shalt  }
0x63: {  	_ =	shalt  }
0x64: {  	_ =	shalt  }
0x65: {  	_ =	shalt  }
0x66: {  	_ =	shalt  }
0x67: {  	_ =	shalt  }
0x68: {  	_ =	shalt  }
0x69: {  	_ =	shalt  }
0x6a: {  	_ =	shalt  }
0x6b: {  	_ =	shalt  }
0x6c: {  	_ =	shalt  }
0x6d: {  	_ =	shalt  }
0x6e: {  	_ =	shalt  }
0x6f: {  	_ =	shalt  }
0x70: {  	_ =	shalt  }
0x71: {  	_ =	shalt  }
0x72: {  	_ =	shalt  }
0x73: {  	_ =	shalt  }
0x74: {  	_ =	shalt  }
0x75: {  	_ =	shalt  }
0x76: {  	_ =	shalt  }
0x77: {  	_ =	shalt  }
0x78: {  	_ =	shalt  }
0x79: {  	_ =	shalt  }
0x7a: {  	_ =	shalt  }
0x7b: {  	_ =	shalt  }
0x7c: {  	_ =	shalt  }
0x7d: {  	_ =	shalt  }
0x7e: {  	_ =	shalt  }
0x7f: {  	_ =	shalt  }
0x80: {  	_ =	shalt  }
0x81: {  	_ =	shalt  }
0x82: {  	_ =	shalt  }
0x83: {  	_ =	shalt  }
0x84: {  	_ =	shalt  }
0x85: {  	_ =	shalt  }
0x86: {  	_ =	shalt  }
0x87: {  	_ =	shalt  }
.Lfunc_end0:
.L_simem_size_0:
called_computation.1_lowered:
.L_overlay_start_0:
0x88: {  	s2 =	sld [smem:$0x3FD9]  }
0x89: {  	s3 =	sld [smem:$0x3FFE];
	_ =	sdelay $0x1  }
0x8a: {  	s1 =	srdreg.scid  }
0x8b: {  	s0 =	sand.u32 $0x1, s1  }
0x8c: {  	s15 =	sshll.u32 s0, $0xA;
	s2 =	sadd.s32 s3, s2  }
0x8d: {  	s2 =	sadd.s32 s2, s15  }
0x8e: {  	[smem:$0x3FBE] =	sst s2  }
0x8f: {  	_ = 	snop  }
0x90: {  	s2 =	sld [smem:$0x3FD0];
	_ =	sdelay $0x2  }
0x91: {  	s16 =	simm.s32 $0xB;
	s4 =	simm.s32 $0x10  }
0x92: {  	[smem:s4], [sflag:s16] =	dma.local [hbm:s2], $0x1  }
0x93: {  	_ =	swait.eq [sflag:s16], $0x1  }
0x94: {  	[sflag:s16] =	ssyncset.done $0x0  }
0x95: {  	[sflag:s16] =	ssyncadd.s32 $0xFFFFFFFF  }
0x96: {  	s17 =	sld [smem:$0x10];
	(tm) =	ssettm $0x1  }
0x97: {  	s18 =	sld [smem:$0x3FFB];
	_ =	sdelay $0x3  }
0x98: {  	_ =	strace s18  }
0x99: {  	s2 =	sld [smem:$0x3FFC];
	_ =	sdelay $0x3  }
0x9a: {  	_ =	strace s2  }
0x9b: {  	s2 =	sld [smem:$0x3FFD];
	_ =	sdelay $0x3  }
0x9c: {  	_ =	strace s2  }
0x9d: {  	_ =	strace $0x8FFFFFFF  }
0x9e: {  	s19 =	sld [smem:$0x3FDB];
	_ =	sdelay $0x1  }
0x9f: {  	s20 =	simm.s32 $_scs_section_size  }
0xa0: {  	s5 =	simm.s32 $_size__tile_overlayer_lowered;
	s6 =	simm.s32 $_tile_overlayer_lowered  }
0xa1: {  	s7 =	simm.s32 $0x1BFF;
	s21 =	sshll.u32 s6, $0x1;
	s4 =	sadd.s32 s20, s19  }
0xa2: {  	s22 =	simm.s32 $0x0;
	s5 =	sshll.u32 s5, $0x1;
	s6 =	sadd.s32 s21, s4  }
0xa3: {  	[timem:s22], [sflag:s7] =	dma.local [hbm:s6], s5  }
0xa4: {  	_ =	swait.ge [sflag:s7], s5  }
0xa5: {  	s5 =	ssub.s32 $0x0, s5;
	[sflag:s7] =	ssyncset.done $0x0  }
0xa6: {  	[sflag:s7] =	ssyncadd.s32 s5;
	_ =	sdelay $0x1  }
0xa7: {  	s23 =	simm.s32 $0x1B8B  }
0xa8: {  	_ =	swait.ge [sflag:s23], $0x1  }
0xa9: {  	[sflag:s23] =	ssyncset.done $0x0  }
0xaa: {  	[sflag:s23] =	ssyncadd.s32 $0xFFFFFFFF  }
0xab: {  	s5 =	sld [smem:$0x0]  }
0xac: {  	s6 =	sand.u32 $0xFFFFFFFE, s1  }
0xad: {  	p0 =	sne.s32 s1, s6  }
0xae: {  	s6 =	sshll.u32 @p0 s6, $0xE  }
0xaf: {  	s6 =	sadd.s32 @p0 $0x11B8D, s6;
	s7 =	sshll.u32 @p0 s5, $0x11  }
0xb0: {  	s6 =	sor.u32 @p0 s7, s6  }
0xb1: {  	[sflag:s6] =	ssyncadd.remote.s32 @p0 $0x1;
	_ =	sdelay $0x1  }
0xb2: {  	s6 =	simm.s32 @p0 $0x1B8D  }
0xb3: {  	_ =	swait.eq @p0 [sflag:s6], $0x1  }
0xb4: {  	[sflag:s6] =	ssyncadd.s32 @p0 $0xFFFFFFFF  }
0xb5: {  	s7 =	sshll.u32 @!p0 s1, $0xE  }
0xb6: {  	s7 =	sor.u32 @!p0 $0x4000, s7;
	s6 =	simm.s32 @!p0 $0x1B8D  }
0xb7: {  	s5 =	sshll.u32 @!p0 s5, $0x11;
	s7 =	sadd.s32 @!p0 $0x11B8D, s7;
	_ =	swait.eq @!p0 [sflag:s6], $0x1  }
0xb8: {  	s5 =	sor.u32 @!p0 s5, s7;
	[sflag:s6] =	ssyncadd.s32 @!p0 $0xFFFFFFFF  }
0xb9: {  	s25 =	simm.s32 $0x1B8E;
	s24 =	sld [smem:$0x3FFE];
	[sflag:s5] =	ssyncadd.remote.s32 @!p0 $0x1  }
0xba: {  	s26 =	simm.s32 $execute0_lowered;
	[smem:$0x3FD2] =	sst s25  }
0xbb: {  	s6 =	sshll.u32 s26, $0x1;
	_ =	strace $0x80000049;
	[dreg:$0x1] =	wrdreg $0xFFFFFFFF  }
0xbc: {  	s28 =	simm.s32 $_size_execute0_lowered;
	s4 =	sadd.s32 s4, s6;
	[dreg:$0x0] =	wrdreg $0x0  }
0xbd: {  	s6 =	sshll.u32 s28, $0x1;
	[dreg:$0x2] =	wrdreg s4  }
0xbe: {  	[dreg:$0x3] =	wrdreg s6  }
0xbf: {  	[dreg:$0x4] =	wrdreg $0xC0  }
0xc0: {  	_ =	task [dreg:s22], $0x5FFFF  }
0xc1: {  	[dreg:$0x1] =	wrdreg $0xFFFFFFFF  }
0xc2: {  	[dreg:$0x0] =	wrdreg $0x60  }
0xc3: {  	[dreg:$0x2] =	wrdreg s24  }
0xc4: {  	[dreg:$0x3] =	wrdreg s17  }
0xc5: {  	[dreg:$0x4] =	wrdreg $0xA  }
0xc6: {  	_ =	task.clear_ibuf [dreg:s22], $0x5FFFF;
	_ =	strace $0x90000049  }
0xc7: {  	s29 =	simm.s32 $0xA;
	_ =	strace $0x8000004B  }
0xc8: {  	_ =	swait.ge [sflag:s29], $0x1  }
0xc9: {  	[sflag:s29] =	ssyncadd.s32 $0xFFFFFFFF  }
0xca: {  	_ =	strace $0x9000004B  }
0xcb: {  	_ =	sfence  }
0xcc: {  	s30 =	sld [smem:$0x0];
	_ =	sdelay $0x2  }
0xcd: {  	s31 =	sshll.u32 s1, $0xD;
	s1 =	sshrl.u32 s1, $0x2  }
0xce: {  	s4 =	sand.u32 $0x4000, s31;
	s1 =	sadd.s32 s1, s30  }
0xcf: {  	s0 =	sor.u32 s4, s0;
	s1 =	sshll.u32 s1, $0x11  }
0xd0: {  	s0 =	sor.u32 s1, s0  }
0xd1: {  	s0 =	sadd.s32 $0x8F2B, s0  }
0xd2: {  	[sflag:s0] =	ssyncadd.remote.s32 $0x1  }
0xd3: {  	_ =	sfence.sel $0xFFFF  }
0xd4: {  	[dreg:$0x0] =	wrdreg $0xFFFFFFFF;
	(pc) =	sbr.abs _section_cstart, $3  }
0xd5: {  	[dreg:$0x1] =	wrdreg $0xFFFFFFFF  }
0xd6: {  	_ =	task.clear_ibuf [dreg:s22], $0x2FFFF;
	_ =	strace $0x9FFFFFFF  }
0xd7: {  	(tm) =	ssettm $0x7FFFFFFF  }
tec
execute0_lowered:
.L_overlay_start_1:
0x0: {  	(tag) =	ssettag $0x1  }
0x1: {  	s1 =	srdreg.scid;
	s9 =	rddreg [dreg:$0x0]  }
0x2: {  	s0 =	stileid.u32;
	s3 =	rddreg [dreg:$0x1]  }
0x3: {  	s2 =	simm.s32 $0x0;
	s7 =	simm.s32 $0x80;
	s6 =	sand.u32 $0x1, s1  }
0x4: {  	s4 =	sshll.u32 s0, $0x7;
	s1 =	rddreg [dreg:$0x2];
	s5 =	sshll.u32 s6, $0x6  }
0x5: {  	s8 =	simm.s32 $0x1;
	[smem:$0x7FF] =	sst s2;
	s10 =	sor.u32 s5, s4  }
0x6: {  	_ =	strace $0x8000004A;
	s11 =	ssub.s32 $0x2, s6;
	s4 =	sshrl.u32 s10, $0x3  }
0x7: {  	s6 =	simm.s32 $0x40;
	s4 =	sadd.s32 s3, s4;
	s3 =	simm.s32 $0x2  }
0x8: {  	[tilespmem:s2], [sflag:$0x2] =	stream.linear.gather [hbm4b:s4+s2], $0x40, $0x38;
	[tilespmem:$0x2080] =	vst v63  }
0x9: {  	s5 =	sadd.s32 $0x40000, s9;
	s12 =	sshrl.u32 s11, $0x1;
	_ =	swait.ge [sflag:s3], $0x40  }
0xa: {  	s10 =	sshll.u32 s10, $0x4;
	s31 =	ssub.s32 s11, s12;
	[sflag:s3] =	ssyncset.done $0x0  }
0xb: {  	s9 =	sadd.s32 s10, s9;
	s10 =	smax.u32 s31, $0x1;
	[sflag:s3] =	ssyncadd.s32 $0xFFFFFFC0  }
0xc: {  	[tilespmem:s7], [sflag:$0x1] =	stream.indirect.gather [hbm4b:s5+s6], $0x80, s2, s6, $0xb8;
	[tilespmem:$0x2080] =	vst v63  }
0xd: {  	p0 =	sne.s32 s10, $0x1;
	_ =	swait.ge [sflag:s8], $0x2000  }
.Ltmp0:
0xe: {  	[sflag:s8] =	ssyncset.done $0x0;
	(pc) =	sbr.rel @!p0 .LBB2_2-.Ltmp0, $4  }
0xf: {  	s9 =	sadd.s32 $0x80000, s9;
	[sflag:s8] =	ssyncadd.s32 $0xFFFFE000  }
0x10: {  	[hbm4b:s9+s2] =	stream.linear.scatter [tilespmem:s7], [sflag:$0x2], $0x2000, $0x38;
	[tilespmem:$0x2080] =	vst v63  }
0x11: {  	_ =	swait.ge [sflag:s3], $0x2000  }
0x12: {  	s10 =	sadd.s32 $0xFFFFFFFF, s10;
	[sflag:s3] =	ssyncset.done $0x0  }
.LBB2_1:
0x13: {  	p0 =	sne.s32 s10, $0x1;
	s10 =	sadd.s32 $0xFFFFFFFF, s10;
	[sflag:s3] =	ssyncadd.s32 $0xFFFFE000  }
0x14: {  	[tilespmem:s2], [sflag:$0x2] =	stream.linear.gather [hbm4b:s4+s2], $0x40, $0x38;
	[tilespmem:$0x2080] =	vst v63  }
0x15: {  	_ =	swait.ge [sflag:s3], $0x40  }
0x16: {  	[sflag:s3] =	ssyncset.done $0x0  }
0x17: {  	[sflag:s3] =	ssyncadd.s32 $0xFFFFFFC0  }
0x18: {  	[tilespmem:s7], [sflag:$0x1] =	stream.indirect.gather [hbm4b:s5+s6], $0x80, s2, s6, $0xb8;
	[tilespmem:$0x2080] =	vst v63  }
0x19: {  	_ =	swait.ge [sflag:s8], $0x2000  }
.Ltmp1:
0x1a: {  	[sflag:s8] =	ssyncset.done $0x0;
	(pc) =	sbr.rel @p0 .LBB2_1-.Ltmp1, $4  }
0x1b: {  	[sflag:s8] =	ssyncadd.s32 $0xFFFFE000  }
0x1c: {  	[hbm4b:s9+s2] =	stream.linear.scatter [tilespmem:s7], [sflag:$0x2], $0x2000, $0x38;
	[tilespmem:$0x2080] =	vst v63  }
0x1d: {  	_ =	swait.ge [sflag:s3], $0x2000  }
0x1e: {  	[sflag:s3] =	ssyncset.done $0x0  }
.LBB2_2:
0x1f: {  	[sflag:s3] =	ssyncadd.s32 $0xFFFFE000  }
0x20: {  	_ =	sfence.sel $0x180000  }
0x21: {  	[bflag:$0x0] =	sbarrier.arrive $0xFFFF  }
0x22: {  	p0 =	sne.s32 s0, $0x0;
	_ =	strace $0x9000004A  }
0x23: {  	s0 =	sadd.s32 @!p0 $0x100000, s1;
	[bflag:$0x2] =	sbarrier.arrive $0xFFFF  }
0x24: {  	[sflag:s0] =	ssyncadd.tile.s32 @!p0 $0x1;
	_ =	shalt  }
.Lfunc_end2:
_tile_overlayer_lowered:
.L_overlay_start_2:
0x25: {  	(tag) =	ssettag $0x2  }
0x26: {  	s0 =	rddreg [dreg:$0x0];
	s2 =	stileid.u32  }
0x27: {  	s1 =	rddreg [dreg:$0x1];
	p0 =	sne.s32 s2, $0x0  }
0x28: {  	s3 =	rddreg [dreg:$0x2];
	[bflag:$0x3] =	sbarrier.arrive $0xFFFF;
	s2 =	simm.s32 @!p0 $0x1C02  }
0x29: {  	[timem:s3], [sflag:s2] =	dma.local @!p0 [hbm:s0], s1  }
0x2a: {  	s0 =	simm.s32 @!p0 $0x2  }
0x2b: {  	_ =	swait.ge @!p0 [sflag:s0], s1  }
0x2c: {  	s1 =	ssub.s32 @!p0 $0x0, s1;
	[sflag:s0] =	ssyncset.done @!p0 $0x0  }
0x2d: {  	[sflag:s0] =	ssyncadd.s32 @!p0 s1  }
0x2e: {  	[bflag:$0x3] =	sbarrier.arrive $0xFFFF  }
0x2f: {  	_ =	shalt  }

// kernel: kernel.7.cloned.1.call-start
scs
__scs_entry_jumppad:
0x0: {  	(pc) =	sbr.rel $0x88, $3  }
0x1: {  	(tag) =	ssettag $0x0;
	lr =	simm.s32 $0x1  }
0x2: {  	[smem:$0x3F97] =	sst lr;
	_ =	strace $0xD0000000  }
0x3: {  	_ = 	snop  }
0x4: {  	_ = 	snop  }
0x5: {  	_ = 	snop  }
0x6: {  	_ = 	snop  }
0x7: {  	_ = 	snop  }
__scs_overlays_trampoline_lowered:
0x8: {  	[smem:$0x3FA6] =	sst s0  }
0x9: {  	[smem:$0x3FA7] =	sst s1  }
0xa: {  	[smem:$0x3FA8] =	sst s2  }
0xb: {  	[smem:$0x3FA9] =	sst s3  }
0xc: {  	[smem:$0x3FAA] =	sst s4  }
0xd: {  	[smem:$0x3FAB] =	sst s5  }
0xe: {  	[smem:$0x3FAC] =	sst s6  }
0xf: {  	[smem:$0x3FAD] =	sst s7  }
0x10: {  	[smem:$0x3FAE] =	sst s8  }
0x11: {  	[smem:$0x3FAF] =	sst s9;
	s0 =	simm.s32 @!p0 $0x0  }
0x12: {  	s1 =	sld [smem:$0x3F95];
	s0 =	simm.s32 @p0 $0x1  }
0x13: {  	[smem:$0x3FB0] =	sst s0;
	s0 =	simm.s32 @!p1 $0x0  }
0x14: {  	s2 =	sld [smem:$0x3F94];
	s0 =	simm.s32 @p1 $0x1  }
0x15: {  	[smem:$0x3FB1] =	sst s0;
	s0 =	simm.s32 @!p2 $0x0  }
0x16: {  	s3 =	sld [smem:$0x3FDB];
	s0 =	simm.s32 @p2 $0x1  }
0x17: {  	s4 =	simm.s32 $0x1BF5;
	[smem:$0x3FB3] =	sst s0  }
0x18: {  	s0 =	sld [smem:$0x3F96];
	_ =	swait.ge [sflag:s4], $0x0  }
0x19: {  	s7 =	sld [smem:$0x3F97]  }
0x1a: {  	s8 =	sadd.s32 $0xFFFFE003, lr  }
0x1b: {  	s9 =	sadd.s32 $0xFFFFFEF7, lr;
	s5 =	simm.s32 $0xFFFFFFFF;
	p2 =	slt.u32 s8, $0xFFFFF086  }
0x1c: {  	p1 =	slt.u32 s9, $0xF7A;
	s5 =	simm.s32 @!p2 $0x0  }
0x1d: {  	s5 =	simm.s32 @p1 $0x1;
	p0 =	seq.s32 s7, s2  }
0x1e: {  	s7 =	smul.u32 @!p0 $0xF7A, s2;
	p2 =	seq.s32 @!p0 s5, $0x0  }
0x1f: {  	s9 =	smul.u32 $0xF7A, s1;
	s8 =	simm.s32 @!p0 $0x1BF5;
	p2 =	por !p2, p0  }
0x20: {  	[sflag:s8] =	ssyncset.s32 @!p0 $0xFFFFF086;
	s6 =	sadd.s32 @!p0 s3, s7;
	s7 =	simm.s32 @!p0 $0x108  }
0x21: {  	s3 =	sadd.s32 s3, s9;
	s6 =	sadd.s32 @!p0 $0x88, s6;
	s7 =	simm.s32 @p2 $0x1082  }
0x22: {  	[simem:s7], [sflag:s8] =	dma.local @!p0 [hbm:s6], $0xF7A  }
0x23: {  	s9 =	sor.u32 $0xD0000000, s2;
	s6 =	simm.s32 $0x108;
	_ =	swait.ge @!p0 [sflag:s8], $0x0  }
0x24: {  	s3 =	sadd.s32 $0x88, s3;
	s6 =	simm.s32 @!p1 $0x1082;
	[sflag:s4] =	ssyncset.s32 $0xFFFFF086  }
0x25: {  	[simem:s6], [sflag:s4] =	dma.local [hbm:s3], $0xF7A  }
0x26: {  	[smem:$0x3F97] =	sst s1;
	(tag) =	ssettag s2;
	_ =	strace s9  }
0x27: {  	s1 =	sld [smem:$0x3FA7]  }
0x28: {  	s2 =	sld [smem:$0x3FA8]  }
0x29: {  	s4 =	sld [smem:$0x3FAA]  }
0x2a: {  	p0 =	seq.s32 s5, $0x0;
	s5 =	sld [smem:$0x3FAB]  }
0x2b: {  	s6 =	sld [smem:$0x3FAC]  }
0x2c: {  	s7 =	sld [smem:$0x3FAD]  }
0x2d: {  	s3 =	simm.s32 $0x108;
	s8 =	sld [smem:$0x3FAE]  }
0x2e: {  	s3 =	simm.s32 @!p0 $0x1082;
	s9 =	sld [smem:$0x3FAF]  }
0x2f: {  	lr =	sadd.s32 s0, s3;
	s0 =	sld [smem:$0x3FA6]  }
0x30: {  	s3 =	sld [smem:$0x3FA9]  }
0x31: {  	[smem:$0x3FB2] =	sst s10  }
0x32: {  	s10 =	sld [smem:$0x3FB0];
	_ =	sdelay $0x3  }
0x33: {  	p0 =	seq.s32 s10, $0x1;
	s10 =	sld [smem:$0x3FB2];
	_ =	sdelay $0x3  }
0x34: {  	[smem:$0x3FB2] =	sst s10  }
0x35: {  	s10 =	sld [smem:$0x3FB1];
	_ =	sdelay $0x3  }
0x36: {  	p1 =	seq.s32 s10, $0x1;
	s10 =	sld [smem:$0x3FB2];
	_ =	sdelay $0x3  }
0x37: {  	[smem:$0x3FB2] =	sst s10  }
0x38: {  	s10 =	sld [smem:$0x3FB3]  }
0x39: {  	_ = 	snop;
	(pc) =	sbr.ind lr, $3  }
0x3a: {  	_ = 	snop  }
0x3b: {  	_ = 	snop  }
0x3c: {  	p2 =	seq.s32 s10, $0x1;
	s10 =	sld [smem:$0x3FB2]  }
0x3d: {  	_ =	shalt  }
0x3e: {  	_ =	shalt  }
0x3f: {  	_ =	shalt  }
0x40: {  	_ =	shalt  }
0x41: {  	_ =	shalt  }
0x42: {  	_ =	shalt  }
0x43: {  	_ =	shalt  }
0x44: {  	_ =	shalt  }
0x45: {  	_ =	shalt  }
0x46: {  	_ =	shalt  }
0x47: {  	_ =	shalt  }
0x48: {  	_ =	shalt  }
0x49: {  	_ =	shalt  }
0x4a: {  	_ =	shalt  }
0x4b: {  	_ =	shalt  }
0x4c: {  	_ =	shalt  }
0x4d: {  	_ =	shalt  }
0x4e: {  	_ =	shalt  }
0x4f: {  	_ =	shalt  }
0x50: {  	_ =	shalt  }
0x51: {  	_ =	shalt  }
0x52: {  	_ =	shalt  }
0x53: {  	_ =	shalt  }
0x54: {  	_ =	shalt  }
0x55: {  	_ =	shalt  }
0x56: {  	_ =	shalt  }
0x57: {  	_ =	shalt  }
0x58: {  	_ =	shalt  }
0x59: {  	_ =	shalt  }
0x5a: {  	_ =	shalt  }
0x5b: {  	_ =	shalt  }
0x5c: {  	_ =	shalt  }
0x5d: {  	_ =	shalt  }
0x5e: {  	_ =	shalt  }
0x5f: {  	_ =	shalt  }
0x60: {  	_ =	shalt  }
0x61: {  	_ =	shalt  }
0x62: {  	_ =	shalt  }
0x63: {  	_ =	shalt  }
0x64: {  	_ =	shalt  }
0x65: {  	_ =	shalt  }
0x66: {  	_ =	shalt  }
0x67: {  	_ =	shalt  }
0x68: {  	_ =	shalt  }
0x69: {  	_ =	shalt  }
0x6a: {  	_ =	shalt  }
0x6b: {  	_ =	shalt  }
0x6c: {  	_ =	shalt  }
0x6d: {  	_ =	shalt  }
0x6e: {  	_ =	shalt  }
0x6f: {  	_ =	shalt  }
0x70: {  	_ =	shalt  }
0x71: {  	_ =	shalt  }
0x72: {  	_ =	shalt  }
0x73: {  	_ =	shalt  }
0x74: {  	_ =	shalt  }
0x75: {  	_ =	shalt  }
0x76: {  	_ =	shalt  }
0x77: {  	_ =	shalt  }
0x78: {  	_ =	shalt  }
0x79: {  	_ =	shalt  }
0x7a: {  	_ =	shalt  }
0x7b: {  	_ =	shalt  }
0x7c: {  	_ =	shalt  }
0x7d: {  	_ =	shalt  }
0x7e: {  	_ =	shalt  }
0x7f: {  	_ =	shalt  }
0x80: {  	_ =	shalt  }
0x81: {  	_ =	shalt  }
0x82: {  	_ =	shalt  }
0x83: {  	_ =	shalt  }
0x84: {  	_ =	shalt  }
0x85: {  	_ =	shalt  }
0x86: {  	_ =	shalt  }
0x87: {  	_ =	shalt  }
.Lfunc_end0:
.L_simem_size_0:
called_computation_lowered:
.L_overlay_start_0:
0x88: {  	s2 =	sld [smem:$0x3FD9]  }
0x89: {  	s3 =	sld [smem:$0x3FFE];
	_ =	sdelay $0x1  }
0x8a: {  	s1 =	srdreg.scid  }
0x8b: {  	s0 =	sand.u32 $0x1, s1  }
0x8c: {  	s14 =	sshll.u32 s0, $0xA;
	s2 =	sadd.s32 s3, s2  }
0x8d: {  	s2 =	sadd.s32 s2, s14  }
0x8e: {  	[smem:$0x3FBE] =	sst s2  }
0x8f: {  	_ = 	snop  }
0x90: {  	s2 =	sld [smem:$0x3FD0];
	_ =	sdelay $0x2  }
0x91: {  	s15 =	simm.s32 $0xB;
	s4 =	simm.s32 $0x10  }
0x92: {  	[smem:s4], [sflag:s15] =	dma.local [hbm:s2], $0x1  }
0x93: {  	_ =	swait.eq [sflag:s15], $0x1  }
0x94: {  	[sflag:s15] =	ssyncset.done $0x0  }
0x95: {  	s16 =	sld [smem:$0x11];
	[sflag:s15] =	ssyncadd.s32 $0xFFFFFFFF  }
0x96: {  	s17 =	sld [smem:$0x12];
	(tm) =	ssettm $0x1  }
0x97: {  	s18 =	sld [smem:$0x3FFB];
	_ =	sdelay $0x3  }
0x98: {  	_ =	strace s18  }
0x99: {  	s4 =	sld [smem:$0x3FFC];
	_ =	sdelay $0x3  }
0x9a: {  	_ =	strace s4  }
0x9b: {  	s4 =	sld [smem:$0x3FFD];
	_ =	sdelay $0x3  }
0x9c: {  	_ =	strace s4  }
0x9d: {  	_ =	strace $0x8FFFFFFF  }
0x9e: {  	s19 =	sld [smem:$0x3FDB];
	_ =	sdelay $0x1  }
0x9f: {  	s5 =	simm.s32 $_scs_section_size  }
0xa0: {  	s6 =	simm.s32 $_size__tile_overlayer_lowered;
	s7 =	simm.s32 $_tile_overlayer_lowered  }
0xa1: {  	s22 =	simm.s32 $0x1BFF;
	s21 =	sshll.u32 s7, $0x1;
	s4 =	sadd.s32 s5, s19  }
0xa2: {  	s8 =	simm.s32 $0x0;
	s20 =	sshll.u32 s6, $0x1;
	s6 =	sadd.s32 s21, s4  }
0xa3: {  	[timem:s8], [sflag:s22] =	dma.local [hbm:s6], s20  }
0xa4: {  	_ =	swait.ge [sflag:s22], s20  }
0xa5: {  	s5 =	ssub.s32 $0x0, s20;
	[sflag:s22] =	ssyncset.done $0x0  }
0xa6: {  	[sflag:s22] =	ssyncadd.s32 s5;
	_ =	sdelay $0x1  }
0xa7: {  	s23 =	simm.s32 $0x1B8B  }
0xa8: {  	_ =	swait.ge [sflag:s23], $0x1  }
0xa9: {  	[sflag:s23] =	ssyncset.done $0x0  }
0xaa: {  	s25 =	simm.s32 $0x1B8E;
	s24 =	sld [smem:$0x3FFE];
	[sflag:s23] =	ssyncadd.s32 $0xFFFFFFFF  }
0xab: {  	s26 =	simm.s32 $execute0_lowered;
	[smem:$0x3FD2] =	sst s25  }
0xac: {  	s6 =	sshll.u32 s26, $0x1;
	_ =	strace $0x80000046;
	[dreg:$0x1] =	wrdreg $0xFFFFFFFF  }
0xad: {  	s28 =	simm.s32 $_size_execute0_lowered;
	s4 =	sadd.s32 s4, s6;
	[dreg:$0x0] =	wrdreg $0x0  }
0xae: {  	s6 =	sshll.u32 s28, $0x1;
	[dreg:$0x2] =	wrdreg s4  }
0xaf: {  	[dreg:$0x3] =	wrdreg s6  }
0xb0: {  	[dreg:$0x4] =	wrdreg $0xC0  }
0xb1: {  	_ =	task [dreg:s8], $0x5FFFF  }
0xb2: {  	[dreg:$0x1] =	wrdreg $0xFFFFFFFF  }
0xb3: {  	[dreg:$0x0] =	wrdreg $0x60  }
0xb4: {  	[dreg:$0x2] =	wrdreg s24  }
0xb5: {  	[dreg:$0x3] =	wrdreg s17  }
0xb6: {  	[dreg:$0x4] =	wrdreg s16  }
0xb7: {  	[dreg:$0x5] =	wrdreg $0x9  }
0xb8: {  	_ =	task.clear_ibuf [dreg:s8], $0x6FFFF;
	_ =	strace $0x90000046  }
0xb9: {  	s29 =	simm.s32 $0x9;
	_ =	strace $0x80000048  }
0xba: {  	_ =	swait.ge [sflag:s29], $0x1  }
0xbb: {  	[sflag:s29] =	ssyncadd.s32 $0xFFFFFFFF  }
0xbc: {  	_ =	strace $0x90000048  }
0xbd: {  	_ =	sfence  }
0xbe: {  	s30 =	sld [smem:$0x0];
	_ =	sdelay $0x2  }
0xbf: {  	s31 =	sshll.u32 s1, $0xD;
	s1 =	sshrl.u32 s1, $0x2  }
0xc0: {  	s3 =	sand.u32 $0x4000, s31;
	s1 =	sadd.s32 s1, s30  }
0xc1: {  	s0 =	sor.u32 s3, s0;
	s1 =	sshll.u32 s1, $0x11  }
0xc2: {  	s0 =	sor.u32 s1, s0  }
0xc3: {  	s0 =	sadd.s32 $0x8F2B, s0  }
0xc4: {  	[sflag:s0] =	ssyncadd.remote.s32 $0x1  }
0xc5: {  	_ =	sfence.sel $0xFFFF  }
0xc6: {  	[dreg:$0x0] =	wrdreg $0xFFFFFFFF;
	(pc) =	sbr.abs _section_cstart, $3  }
0xc7: {  	[dreg:$0x1] =	wrdreg $0xFFFFFFFF  }
0xc8: {  	_ =	task.clear_ibuf [dreg:s8], $0x2FFFF;
	_ =	strace $0x9FFFFFFF  }
0xc9: {  	(tm) =	ssettm $0x7FFFFFFF  }
tec
execute0_lowered:
.L_overlay_start_1:
0x0: {  	(tag) =	ssettag $0x1  }
0x1: {  	s1 =	rddreg [dreg:$0x0]  }
0x2: {  	s2 =	srdreg.scid;
	s4 =	rddreg [dreg:$0x1]  }
0x3: {  	s0 =	stileid.u32;
	s9 =	rddreg [dreg:$0x2];
	s6 =	sand.u32 $0x1, s2  }
0x4: {  	s3 =	simm.s32 $0x0;
	s5 =	sshll.u32 s0, $0x6;
	s7 =	sshll.u32 s6, $0x5  }
0x5: {  	[smem:$0x7FF] =	sst s3;
	s10 =	sor.u32 s7, s5  }
0x6: {  	s2 =	rddreg [dreg:$0x3];
	_ =	strace $0x80000047;
	s5 =	sshrl.u32 s10, $0x3  }
0x7: {  	s11 =	ssub.s32 $0x2, s6;
	s5 =	sadd.s32 s4, s5;
	s4 =	simm.s32 $0x2  }
0x8: {  	[tilespmem:s3], [sflag:$0x2] =	stream.linear.gather [hbm4b:s5+s3], $0x20, $0x38;
	[tilespmem:$0x1080] =	vst v63  }
0x9: {  	s8 =	simm.s32 $0x1;
	s12 =	sshrl.u32 s11, $0x1;
	_ =	swait.ge [sflag:s4], $0x20  }
0xa: {  	s6 =	simm.s32 $0x20;
	s11 =	ssub.s32 s11, s12;
	[sflag:s4] =	ssyncset.done $0x0  }
0xb: {  	s7 =	simm.s32 $0x80;
	s31 =	smax.u32 s11, $0x1;
	[sflag:s4] =	ssyncadd.s32 $0xFFFFFFE0  }
0xc: {  	[tilespmem:s7], [sflag:$0x1] =	stream.indirect.gather [hbm4b:s1+s6], $0x80, s3, s6, $0xb8;
	[tilespmem:$0x1080] =	vst v63  }
0xd: {  	p0 =	sne.s32 s31, $0x1;
	_ =	swait.ge [sflag:s8], $0x1000  }
.Ltmp0:
0xe: {  	s10 =	sshll.u32 s10, $0x4;
	[sflag:s8] =	ssyncset.done $0x0;
	(pc) =	sbr.rel @!p0 .LBB2_2-.Ltmp0, $4  }
0xf: {  	s9 =	sadd.s32 s9, s10;
	[sflag:s8] =	ssyncadd.s32 $0xFFFFF000  }
0x10: {  	[hbm4b:s9+s3] =	stream.linear.scatter [tilespmem:s7], [sflag:$0x2], $0x1000, $0x38;
	[tilespmem:$0x1080] =	vst v63  }
0x11: {  	_ =	swait.ge [sflag:s4], $0x1000  }
0x12: {  	s10 =	sadd.s32 $0xFFFFFFFF, s31;
	[sflag:s4] =	ssyncset.done $0x0  }
.LBB2_1:
0x13: {  	p0 =	sne.s32 s10, $0x1;
	s10 =	sadd.s32 $0xFFFFFFFF, s10;
	[sflag:s4] =	ssyncadd.s32 $0xFFFFF000  }
0x14: {  	[tilespmem:s3], [sflag:$0x2] =	stream.linear.gather [hbm4b:s5+s3], $0x20, $0x38;
	[tilespmem:$0x1080] =	vst v63  }
0x15: {  	_ =	swait.ge [sflag:s4], $0x20  }
0x16: {  	[sflag:s4] =	ssyncset.done $0x0  }
0x17: {  	[sflag:s4] =	ssyncadd.s32 $0xFFFFFFE0  }
0x18: {  	[tilespmem:s7], [sflag:$0x1] =	stream.indirect.gather [hbm4b:s1+s6], $0x80, s3, s6, $0xb8;
	[tilespmem:$0x1080] =	vst v63  }
0x19: {  	_ =	swait.ge [sflag:s8], $0x1000  }
.Ltmp1:
0x1a: {  	[sflag:s8] =	ssyncset.done $0x0;
	(pc) =	sbr.rel @p0 .LBB2_1-.Ltmp1, $4  }
0x1b: {  	[sflag:s8] =	ssyncadd.s32 $0xFFFFF000  }
0x1c: {  	[hbm4b:s9+s3] =	stream.linear.scatter [tilespmem:s7], [sflag:$0x2], $0x1000, $0x38;
	[tilespmem:$0x1080] =	vst v63  }
0x1d: {  	_ =	swait.ge [sflag:s4], $0x1000  }
0x1e: {  	[sflag:s4] =	ssyncset.done $0x0  }
.LBB2_2:
0x1f: {  	[sflag:s4] =	ssyncadd.s32 $0xFFFFF000  }
0x20: {  	_ =	sfence.sel $0x180000  }
0x21: {  	[bflag:$0x0] =	sbarrier.arrive $0xFFFF  }
0x22: {  	p0 =	sne.s32 s0, $0x0;
	_ =	strace $0x90000047  }
0x23: {  	s0 =	sadd.s32 @!p0 $0x100000, s2;
	[bflag:$0x2] =	sbarrier.arrive $0xFFFF  }
0x24: {  	[sflag:s0] =	ssyncadd.tile.s32 @!p0 $0x1;
	_ =	shalt  }
.Lfunc_end2:
_tile_overlayer_lowered:
.L_overlay_start_2:
0x25: {  	(tag) =	ssettag $0x2  }
0x26: {  	s0 =	rddreg [dreg:$0x0];
	s2 =	stileid.u32  }
0x27: {  	s1 =	rddreg [dreg:$0x1];
	p0 =	sne.s32 s2, $0x0  }
0x28: {  	s3 =	rddreg [dreg:$0x2];
	[bflag:$0x3] =	sbarrier.arrive $0xFFFF;
	s2 =	simm.s32 @!p0 $0x1C02  }
0x29: {  	[timem:s3], [sflag:s2] =	dma.local @!p0 [hbm:s0], s1  }
0x2a: {  	s0 =	simm.s32 @!p0 $0x2  }
0x2b: {  	_ =	swait.ge @!p0 [sflag:s0], s1  }
0x2c: {  	s1 =	ssub.s32 @!p0 $0x0, s1;
	[sflag:s0] =	ssyncset.done @!p0 $0x0  }
0x2d: {  	[sflag:s0] =	ssyncadd.s32 @!p0 s1  }
0x2e: {  	[bflag:$0x3] =	sbarrier.arrive $0xFFFF  }
0x2f: {  	_ =	shalt  }

</sc_bundles>
